<compile_context>
chip_gen: v7x
topology: tpu7x:2x2x1
jax: 0.10.2.dev20260603
libtpu: 0.0.44.dev20260713+nightly
codegen_flags: <defaults>
</compile_context>

<pallas_src>
import jax
import jax.numpy as jnp
from jax import lax
from jax.experimental import pallas as pl
from jax.experimental.pallas import tpu as pltpu
from jax.experimental.pallas import tpu_sc as plsc

_B, _H, _W, _K = 4, 48, 48, 9
_N = _H * _W * _K
_S = 8
_C = _N // _S
_MOS = 100
_IOU_T = 0.9
_SCORE_T = 0.9
_NEG_INF = float("-inf")
_L = 16
_NV = _N // _L
_ACC_CAP = 128
_OUT_CAP = 512


def _decode_kernel(delta_ref, anchor_ref, box_ref):
    tx = delta_ref[0]
    ty = delta_ref[1]
    tw = delta_ref[2]
    th = delta_ref[3]
    a0 = anchor_ref[0:1, :, :]
    a1 = anchor_ref[1:2, :, :]
    a2 = anchor_ref[2:3, :, :]
    a3 = anchor_ref[3:4, :, :]
    xa = (a0 + a1) * 0.5
    ya = (a2 + a3) * 0.5
    wa = a1 - a0
    ha = a3 - a2
    x = tx * wa + xa
    y = ty * ha + ya
    w = jnp.exp(tw) * wa
    h = jnp.exp(th) * ha
    box_ref[0] = jnp.minimum(y + h * 0.5, 1.0)
    box_ref[1] = jnp.maximum(x - w * 0.5, 0.0)
    box_ref[2] = jnp.maximum(y - h * 0.5, 0.0)
    box_ref[3] = jnp.minimum(x + w * 0.5, 1.0)


def _nms_sc_kernel(score_hbm, box_hbm, out_hbm,
                   sco_v, idx_v, oym_v, oxm_v, oyn_v, oxn_v,
                   aym_v, ayx_v, axm_v, axx_v, aar_v, out_v, cmax_v):
    c = lax.axis_index("c")
    s = lax.axis_index("s")
    b = s

    @pl.when(jnp.logical_and(s < 4, c == 0))
    def _work():
        pltpu.sync_copy(score_hbm.at[b], sco_v.at[pl.ds(0, _N)])
        pltpu.sync_copy(box_hbm.at[0, b], oym_v.at[pl.ds(0, _N)])
        pltpu.sync_copy(box_hbm.at[1, b], oxm_v.at[pl.ds(0, _N)])
        pltpu.sync_copy(box_hbm.at[2, b], oyn_v.at[pl.ds(0, _N)])
        pltpu.sync_copy(box_hbm.at[3, b], oxn_v.at[pl.ds(0, _N)])

        lane = lax.iota(jnp.int32, _L)
        neg = jnp.full((_L,), _NEG_INF, jnp.float32)

        zero = jnp.zeros((_L,), jnp.float32)
        lane0 = lane == 0
        for j in range(_OUT_CAP // _L):
            out_v[pl.ds(j * _L, _L)] = zero

        def compact_body(i, cnt):
            base = i * (4 * _L)
            sc0 = sco_v[pl.ds(base, _L)]
            sc1 = sco_v[pl.ds(base + _L, _L)]
            sc2 = sco_v[pl.ds(base + 2 * _L, _L)]
            sc3 = sco_v[pl.ds(base + 3 * _L, _L)]
            m0 = sc0 > _SCORE_T
            m1 = sc1 > _SCORE_T
            m2 = sc2 > _SCORE_T
            m3 = sc3 > _SCORE_T
            pc0 = plsc.all_reduce_population_count(m0)[0]
            pc1 = plsc.all_reduce_population_count(m1)[0]
            pc2 = plsc.all_reduce_population_count(m2)[0]
            pc3 = plsc.all_reduce_population_count(m3)[0]
            c1 = cnt + pc0
            c2 = c1 + pc1
            c3 = c2 + pc2
            plsc.store_compressed(sco_v.at[pl.ds(cnt, _L)], sc0, mask=m0)
            plsc.store_compressed(idx_v.at[pl.ds(cnt, _L)], lane + base,
                                  mask=m0)
            plsc.store_compressed(sco_v.at[pl.ds(c1, _L)], sc1, mask=m1)
            plsc.store_compressed(idx_v.at[pl.ds(c1, _L)], lane + base + _L,
                                  mask=m1)
            plsc.store_compressed(sco_v.at[pl.ds(c2, _L)], sc2, mask=m2)
            plsc.store_compressed(idx_v.at[pl.ds(c2, _L)],
                                  lane + base + 2 * _L, mask=m2)
            plsc.store_compressed(sco_v.at[pl.ds(c3, _L)], sc3, mask=m3)
            plsc.store_compressed(idx_v.at[pl.ds(c3, _L)],
                                  lane + base + 3 * _L, mask=m3)
            return c3 + pc3

        cnt = lax.fori_loop(0, _NV // 4, compact_body, jnp.int32(0))
        sco_v[pl.ds(cnt, _L)] = neg
        nv = (cnt + _L - 1) // _L

        for j in range((_NV + _L) // _L):
            cmax_v[pl.ds(j * _L, _L)] = neg

        def cm_body(i, _):
            v = sco_v[pl.ds(i * _L, _L)]
            gmv = lax.reduce_max(v, (0,))
            plsc.store_compressed(cmax_v.at[pl.ds(i, _L)],
                                  jnp.zeros((_L,), jnp.float32) + gmv,
                                  mask=lane0)
            return jnp.int32(0)

        lax.fori_loop(0, nv, cm_body, jnp.int32(0))
        nvc = (nv + _L - 1) // _L

        def pick_body(state):
            n_acc, _ = state

            def amx_body(i, mi):
                m, im = mi
                v = cmax_v[pl.ds(i * _L, _L)]
                upd = v > m
                return (jnp.where(upd, v, m),
                        jnp.where(upd, lane + i * _L, im))

            m, im = lax.fori_loop(0, nvc, amx_body,
                                  (neg, jnp.zeros((_L,), jnp.int32)))
            gm = lax.reduce_max(m, (0,))
            have = gm > _NEG_INF
            q = lax.reduce_min(jnp.where(m == gm, im, _NV), (0,))

            def rescan_body(i, carry):
                v = sco_v[pl.ds(i * _L, _L)]
                lv = plsc.all_reduce_ffs(v == gm)[0]
                return (lv, v)

            l, chv = lax.fori_loop(q, q + 1, rescan_body,
                                   (jnp.int32(0), neg))
            p = q * _L + l

            def examine(n_acc):
                pidx = jnp.zeros((_L,), jnp.int32) + p
                oi = plsc.load_gather(idx_v, [pidx])
                oy_c = plsc.load_gather(oym_v, [oi])
                ox_c = plsc.load_gather(oxm_v, [oi])
                on_c = plsc.load_gather(oyn_v, [oi])
                ow_c = plsc.load_gather(oxn_v, [oi])
                c_ymin = jnp.minimum(on_c, oy_c)
                c_ymax = jnp.maximum(on_c, oy_c)
                c_xmin = jnp.minimum(ox_c, ow_c)
                c_xmax = jnp.maximum(ox_c, ow_c)
                c_area = (c_ymax - c_ymin) * (c_xmax - c_xmin)

                def iou_body(j, hit):
                    iy1 = jnp.maximum(aym_v[pl.ds(j * _L, _L)], c_ymin)
                    iy2 = jnp.minimum(ayx_v[pl.ds(j * _L, _L)], c_ymax)
                    ix1 = jnp.maximum(axm_v[pl.ds(j * _L, _L)], c_xmin)
                    ix2 = jnp.minimum(axx_v[pl.ds(j * _L, _L)], c_xmax)
                    inter = (jnp.maximum(iy2 - iy1, 0.0)
                             * jnp.maximum(ix2 - ix1, 0.0))
                    iou = inter / (aar_v[pl.ds(j * _L, _L)] + c_area
                                   - inter + 1e-8)
                    valid = (lane + j * _L) < n_acc
                    return jnp.logical_or(
                        hit, jnp.logical_and(iou > _IOU_T, valid))

                hit = lax.fori_loop(0, (n_acc + _L - 1) // _L, iou_body,
                                    jnp.zeros((_L,), jnp.bool_))
                suppressed = jnp.any(hit)
                accept = jnp.logical_and(have, jnp.logical_not(suppressed))

                @pl.when(accept)
                def _accept():
                    def put(ref, vec):
                        plsc.store_compressed(ref.at[pl.ds(n_acc, _L)],
                                              vec, mask=lane0)

                    put(aym_v, c_ymin)
                    put(ayx_v, c_ymax)
                    put(axm_v, c_xmin)
                    put(axx_v, c_xmax)
                    put(aar_v, c_area)
                    row = jnp.where(lane == 0, oy_c,
                          jnp.where(lane == 1, ox_c,
                          jnp.where(lane == 2, on_c, ow_c)))
                    plsc.store_compressed(out_v.at[pl.ds(4 * n_acc, _L)],
                                          row, mask=lane < 4)

                @pl.when(have)
                def _mask_examined():
                    plsc.store_compressed(sco_v.at[pl.ds(p, _L)], neg,
                                          mask=lane0)
                    chv2 = jnp.where(lane == l, neg, chv)
                    ngm = lax.reduce_max(chv2, (0,))
                    plsc.store_compressed(cmax_v.at[pl.ds(q, _L)],
                                          jnp.zeros((_L,), jnp.float32) + ngm,
                                          mask=lane0)

                return n_acc + accept.astype(jnp.int32)

            n_acc = examine(n_acc)
            return (n_acc, jnp.logical_and(have, n_acc < _MOS))

        lax.while_loop(lambda st: st[1], pick_body, (jnp.int32(0), cnt > 0))
        pltpu.sync_copy(out_v, out_hbm.at[b])


def kernel(score_map, delta_map, anchors):
    scores = score_map.reshape(_B, _N)
    deltas = delta_map.reshape(_B, _N, 4).transpose(2, 0, 1).reshape(4, _B, _S, _C)
    anc = anchors.reshape(_N, 4).T.reshape(4, _S, _C)
    boxes = pl.pallas_call(
        _decode_kernel,
        out_shape=jax.ShapeDtypeStruct((4, _B, _S, _C), jnp.float32),
    )(deltas, anc)
    boxes = boxes.reshape(4, _B, _N)

    mesh = plsc.VectorSubcoreMesh(core_axis_name="c", subcore_axis_name="s")
    nms = pl.kernel(
        _nms_sc_kernel, mesh=mesh,
        compiler_params=pltpu.CompilerParams(needs_layout_passes=False),
        out_type=jax.ShapeDtypeStruct((_B, _OUT_CAP), jnp.float32),
        scratch_types=[pltpu.VMEM((_N + _L,), jnp.float32),
                       pltpu.VMEM((_N + _L,), jnp.int32)]
        + [pltpu.VMEM((_N + _L,), jnp.float32)] * 4
        + [pltpu.VMEM((_ACC_CAP,), jnp.float32)] * 5
        + [pltpu.VMEM((_OUT_CAP,), jnp.float32),
           pltpu.VMEM((_NV + _L,), jnp.float32)],
    )
    out = nms(scores, boxes)
    return out[:, :_MOS * 4].reshape(_B, _MOS, 4)

# --- scband reference (transcript-rebuilt; emitter-appended) ---
"""Pipeline reference for scband-rpn-to-ro-i-12068858102122 (READ-ONLY COPY).

The authoritative reference and input builder live on the scoring server;
editing this copy changes nothing except your own understanding.
"""

import jax, jax.numpy as jnp
import numpy as np

B, H, W, K = 4, 48, 48, 9
MOS = 100
IOU_T = 0.9
SCORE_T = 0.9
PROP_T = 0.5


def setup_inputs(seed: int = 0) -> dict:
    key = jax.random.key(seed)
    k1, k2, k3 = jax.random.split(key, 3)
    score_map = jax.random.uniform(k1, (B, H, W, K), dtype=jnp.float32)
    delta_map = jax.random.normal(k2, (B, H, W, 4 * K), dtype=jnp.float32)
    anchors = jax.random.uniform(k3, (H, W, K, 4), dtype=jnp.float32)
    return {"score_map": score_map, "delta_map": delta_map, "anchors": anchors}


def _decode(anchors, delta_map):
    # translate_delta, vectorized over all (i, j, k) anchor positions
    d = delta_map.reshape(H, W, K, 4)
    tx, ty, tw, th = d[..., 0], d[..., 1], d[..., 2], d[..., 3]
    a0, a1, a2, a3 = anchors[..., 0], anchors[..., 1], anchors[..., 2], anchors[..., 3]
    xa = (a0 + a1) / 2.0
    ya = (a2 + a3) / 2.0
    wa = a1 - a0
    ha = a3 - a2
    x = tx * wa + xa
    y = ty * ha + ya
    w = jnp.exp(tw) * wa
    h = jnp.exp(th) * ha
    # clip exactly as the original layer does: xmin>=0, xmax<=1, ymin>=0, ymax<=1
    xmin = jnp.maximum(x - w / 2.0, 0.0)
    xmax = jnp.minimum(x + w / 2.0, 1.0)
    ymin = jnp.maximum(y - h / 2.0, 0.0)
    ymax = jnp.minimum(y + h / 2.0, 1.0)
    # the original layer feeds tf NMS boxes in [ymax, xmin, ymin, xmax] order
    boxes = jnp.stack([ymax, xmin, ymin, xmax], axis=-1).reshape(-1, 4)
    return boxes


def _nms(boxes, scores):
    # tf non_max_suppression accepts any diagonal corner pair; canonicalize
    y1, x1, y2, x2 = boxes[:, 0], boxes[:, 1], boxes[:, 2], boxes[:, 3]
    ymin = jnp.minimum(y1, y2)
    ymax = jnp.maximum(y1, y2)
    xmin = jnp.minimum(x1, x2)
    xmax = jnp.maximum(x1, x2)
    area = (ymax - ymin) * (xmax - xmin)
    # proposal-stage filter (score > 0.5) from propose_score_bbox_pair
    sc0 = jnp.where(scores > PROP_T, scores, -jnp.inf)

    def step(sc, _):
        best = jnp.argmax(sc)
        best_sc = sc[best]
        valid = best_sc > SCORE_T  # tf score_threshold
        iy1 = jnp.maximum(ymin[best], ymin)
        iy2 = jnp.minimum(ymax[best], ymax)
        ix1 = jnp.maximum(xmin[best], xmin)
        ix2 = jnp.minimum(xmax[best], xmax)
        inter = jnp.clip(iy2 - iy1, 0.0, None) * jnp.clip(ix2 - ix1, 0.0, None)
        iou = inter / (area[best] + area - inter + 1e-8)
        sc = jnp.where(iou > IOU_T, -jnp.inf, sc)  # hard NMS (soft_nms_sigma=0)
        sc = sc.at[best].set(-jnp.inf)
        return sc, (jnp.where(valid, best, 0), valid)

    _, (idxs, valids) = jax.lax.scan(step, sc0, None, length=MOS)
    sel = boxes[idxs] * valids[:, None].astype(boxes.dtype)  # zero-pad invalid slots
    return sel


def reference(score_map, delta_map, anchors):
    boxes_b = jax.vmap(lambda d: _decode(anchors, d))(delta_map)
    scores_b = score_map.reshape(B, -1)
    return jax.vmap(_nms)(boxes_b, scores_b)  # [B, MOS, 4]

if __name__ == "__main__":
    import jax
    _d = setup_inputs()
    print(jax.jit(kernel)(*tuple(_d.values())))

</pallas_src>

<mosaic_0001>
#map = affine_map<(d0, d1) -> (0, 0)>
#map1 = affine_map<(d0, d1) -> (0, 0, 0)>
module attributes {stable_mosaic.version = 14 : i64} {
  func.func @_nms_sc_kernel(%arg0: i32, %arg1: i32, %arg2: memref<4x20736xf32, #tpu.memory_space<hbm>>, %arg3: memref<4x4x20736xf32, #tpu.memory_space<hbm>>, %arg4: memref<4x512xf32, #tpu.memory_space<hbm>>, %arg5: memref<20752xf32, #tpu.memory_space<vmem>>, %arg6: memref<20752xi32, #tpu.memory_space<vmem>>, %arg7: memref<20752xf32, #tpu.memory_space<vmem>>, %arg8: memref<20752xf32, #tpu.memory_space<vmem>>, %arg9: memref<20752xf32, #tpu.memory_space<vmem>>, %arg10: memref<20752xf32, #tpu.memory_space<vmem>>, %arg11: memref<128xf32, #tpu.memory_space<vmem>>, %arg12: memref<128xf32, #tpu.memory_space<vmem>>, %arg13: memref<128xf32, #tpu.memory_space<vmem>>, %arg14: memref<128xf32, #tpu.memory_space<vmem>>, %arg15: memref<128xf32, #tpu.memory_space<vmem>>, %arg16: memref<512xf32, #tpu.memory_space<vmem>>, %arg17: memref<1312xf32, #tpu.memory_space<vmem>>) attributes {dimension_semantics = [#tpu.dimension_semantics<core_parallel>, #tpu.dimension_semantics<subcore_parallel>], iteration_bounds = array<i64: 2, 16>, scalar_prefetch = 0 : i64, scratch_operands = 13 : i64, tpu.core_type = #tpu.core_type<sc_vector_subcore>, window_params = [{transform_indices = #map}, {transform_indices = #map1}, {transform_indices = #map}]} {
    %lt3A = arith.constant 4 : i32
    %lt3A_0 = arith.cmpi slt, %arg1, %lt3A : i32
    %eq3A = arith.constant 0 : i32
    %eq3A_1 = arith.cmpi eq, %arg0, %eq3A : i32
    %and3A = arith.andi %lt3A_0, %eq3A_1 : i1
    %convert_element_type3A = arith.extui %and3A : i1 to i32
    %cond3A = arith.constant 0 : i32
    %cond3A_2 = arith.cmpi ne, %convert_element_type3A, %cond3A : i32
    scf.if %cond3A_2 {
      "tpu.region"() ({
        %run_scoped3A_309 = tpu.sem_alloc : memref<!tpu.dma_semaphore, #tpu.memory_space<semaphore_mem>>
        %dma_start3A = arith.constant 0 : i32
        %dma_start3A_310 = tpu.memref_slice %arg5[%dma_start3A] : memref<20752xf32, #tpu.memory_space<vmem>> -> memref<20736xf32, #tpu.memory_space<vmem>>
        %dma_start3A_311 = arith.constant 0 : i32
        %dma_start3A_312 = tpu.memref_slice %arg2[%arg1, %dma_start3A_311] : memref<4x20736xf32, #tpu.memory_space<hbm>> -> memref<1x20736xf32, #tpu.memory_space<hbm>>
        %dma_start3A_313 = tpu.memref_squeeze %dma_start3A_312 : memref<1x20736xf32, #tpu.memory_space<hbm>> -> memref<20736xf32, #tpu.memory_space<hbm>>
        %dma_start3A_314 = arith.constant 0 : i32
        %dma_start3A_315 = tpu.memref_slice %arg5[%dma_start3A_314] : memref<20752xf32, #tpu.memory_space<vmem>> -> memref<20736xf32, #tpu.memory_space<vmem>>
        %dma_start3A_316 = arith.constant 0 : i32
        %dma_start3A_317 = tpu.memref_slice %arg2[%arg1, %dma_start3A_316] : memref<4x20736xf32, #tpu.memory_space<hbm>> -> memref<1x20736xf32, #tpu.memory_space<hbm>>
        %dma_start3A_318 = tpu.memref_squeeze %dma_start3A_317 : memref<1x20736xf32, #tpu.memory_space<hbm>> -> memref<20736xf32, #tpu.memory_space<hbm>>
        tpu.enqueue_dma source(%dma_start3A_318 : memref<20736xf32, #tpu.memory_space<hbm>>) target(%dma_start3A_315 : memref<20736xf32, #tpu.memory_space<vmem>>) target_semaphore(%run_scoped3A_309 : memref<!tpu.dma_semaphore, #tpu.memory_space<semaphore_mem>>)
        %dma_wait3A = arith.constant 0 : i32
        %dma_wait3A_319 = tpu.memref_slice %arg5[%dma_wait3A] : memref<20752xf32, #tpu.memory_space<vmem>> -> memref<20736xf32, #tpu.memory_space<vmem>>
        %dma_wait3A_320 = arith.constant 0 : i32
        %dma_wait3A_321 = tpu.memref_slice %arg2[%arg1, %dma_wait3A_320] : memref<4x20736xf32, #tpu.memory_space<hbm>> -> memref<1x20736xf32, #tpu.memory_space<hbm>>
        %dma_wait3A_322 = tpu.memref_squeeze %dma_wait3A_321 : memref<1x20736xf32, #tpu.memory_space<hbm>> -> memref<20736xf32, #tpu.memory_space<hbm>>
        %dma_wait3A_323 = arith.constant 0 : i32
        %dma_wait3A_324 = tpu.memref_slice %arg5[%dma_wait3A_323] : memref<20752xf32, #tpu.memory_space<vmem>> -> memref<20736xf32, #tpu.memory_space<vmem>>
        %dma_wait3A_325 = arith.constant 0 : i32
        %dma_wait3A_326 = tpu.memref_slice %arg2[%arg1, %dma_wait3A_325] : memref<4x20736xf32, #tpu.memory_space<hbm>> -> memref<1x20736xf32, #tpu.memory_space<hbm>>
        %dma_wait3A_327 = tpu.memref_squeeze %dma_wait3A_326 : memref<1x20736xf32, #tpu.memory_space<hbm>> -> memref<20736xf32, #tpu.memory_space<hbm>>
        tpu.wait_dma2 semaphore(%run_scoped3A_309 : memref<!tpu.dma_semaphore, #tpu.memory_space<semaphore_mem>>) src(%dma_wait3A_327 : memref<20736xf32, #tpu.memory_space<hbm>>) dst(%dma_wait3A_324 : memref<20736xf32, #tpu.memory_space<vmem>>)
        tpu.yield
      }) : () -> ()
      %run_scoped3A = arith.constant 0 : i32
      "tpu.region"() ({
        %run_scoped3A_309 = tpu.sem_alloc : memref<!tpu.dma_semaphore, #tpu.memory_space<semaphore_mem>>
        %dma_start3A = arith.constant 0 : i32
        %dma_start3A_310 = tpu.memref_slice %arg7[%dma_start3A] : memref<20752xf32, #tpu.memory_space<vmem>> -> memref<20736xf32, #tpu.memory_space<vmem>>
        %dma_start3A_311 = arith.constant 0 : i32
        %dma_start3A_312 = tpu.memref_slice %arg3[%run_scoped3A, %arg1, %dma_start3A_311] : memref<4x4x20736xf32, #tpu.memory_space<hbm>> -> memref<1x1x20736xf32, #tpu.memory_space<hbm>>
        %dma_start3A_313 = tpu.memref_squeeze %dma_start3A_312 : memref<1x1x20736xf32, #tpu.memory_space<hbm>> -> memref<20736xf32, #tpu.memory_space<hbm>>
        %dma_start3A_314 = arith.constant 0 : i32
        %dma_start3A_315 = tpu.memref_slice %arg7[%dma_start3A_314] : memref<20752xf32, #tpu.memory_space<vmem>> -> memref<20736xf32, #tpu.memory_space<vmem>>
        %dma_start3A_316 = arith.constant 0 : i32
        %dma_start3A_317 = tpu.memref_slice %arg3[%run_scoped3A, %arg1, %dma_start3A_316] : memref<4x4x20736xf32, #tpu.memory_space<hbm>> -> memref<1x1x20736xf32, #tpu.memory_space<hbm>>
        %dma_start3A_318 = tpu.memref_squeeze %dma_start3A_317 : memref<1x1x20736xf32, #tpu.memory_space<hbm>> -> memref<20736xf32, #tpu.memory_space<hbm>>
        tpu.enqueue_dma source(%dma_start3A_318 : memref<20736xf32, #tpu.memory_space<hbm>>) target(%dma_start3A_315 : memref<20736xf32, #tpu.memory_space<vmem>>) target_semaphore(%run_scoped3A_309 : memref<!tpu.dma_semaphore, #tpu.memory_space<semaphore_mem>>)
        %dma_wait3A = arith.constant 0 : i32
        %dma_wait3A_319 = tpu.memref_slice %arg7[%dma_wait3A] : memref<20752xf32, #tpu.memory_space<vmem>> -> memref<20736xf32, #tpu.memory_space<vmem>>
        %dma_wait3A_320 = arith.constant 0 : i32
        %dma_wait3A_321 = tpu.memref_slice %arg3[%run_scoped3A, %arg1, %dma_wait3A_320] : memref<4x4x20736xf32, #tpu.memory_space<hbm>> -> memref<1x1x20736xf32, #tpu.memory_space<hbm>>
        %dma_wait3A_322 = tpu.memref_squeeze %dma_wait3A_321 : memref<1x1x20736xf32, #tpu.memory_space<hbm>> -> memref<20736xf32, #tpu.memory_space<hbm>>
        %dma_wait3A_323 = arith.constant 0 : i32
        %dma_wait3A_324 = tpu.memref_slice %arg7[%dma_wait3A_323] : memref<20752xf32, #tpu.memory_space<vmem>> -> memref<20736xf32, #tpu.memory_space<vmem>>
        %dma_wait3A_325 = arith.constant 0 : i32
        %dma_wait3A_326 = tpu.memref_slice %arg3[%run_scoped3A, %arg1, %dma_wait3A_325] : memref<4x4x20736xf32, #tpu.memory_space<hbm>> -> memref<1x1x20736xf32, #tpu.memory_space<hbm>>
        %dma_wait3A_327 = tpu.memref_squeeze %dma_wait3A_326 : memref<1x1x20736xf32, #tpu.memory_space<hbm>> -> memref<20736xf32, #tpu.memory_space<hbm>>
        tpu.wait_dma2 semaphore(%run_scoped3A_309 : memref<!tpu.dma_semaphore, #tpu.memory_space<semaphore_mem>>) src(%dma_wait3A_327 : memref<20736xf32, #tpu.memory_space<hbm>>) dst(%dma_wait3A_324 : memref<20736xf32, #tpu.memory_space<vmem>>)
        tpu.yield
      }) : () -> ()
      %run_scoped3A_3 = arith.constant 1 : i32
      "tpu.region"() ({
        %run_scoped3A_309 = tpu.sem_alloc : memref<!tpu.dma_semaphore, #tpu.memory_space<semaphore_mem>>
        %dma_start3A = arith.constant 0 : i32
        %dma_start3A_310 = tpu.memref_slice %arg8[%dma_start3A] : memref<20752xf32, #tpu.memory_space<vmem>> -> memref<20736xf32, #tpu.memory_space<vmem>>
        %dma_start3A_311 = arith.constant 0 : i32
        %dma_start3A_312 = tpu.memref_slice %arg3[%run_scoped3A_3, %arg1, %dma_start3A_311] : memref<4x4x20736xf32, #tpu.memory_space<hbm>> -> memref<1x1x20736xf32, #tpu.memory_space<hbm>>
        %dma_start3A_313 = tpu.memref_squeeze %dma_start3A_312 : memref<1x1x20736xf32, #tpu.memory_space<hbm>> -> memref<20736xf32, #tpu.memory_space<hbm>>
        %dma_start3A_314 = arith.constant 0 : i32
        %dma_start3A_315 = tpu.memref_slice %arg8[%dma_start3A_314] : memref<20752xf32, #tpu.memory_space<vmem>> -> memref<20736xf32, #tpu.memory_space<vmem>>
        %dma_start3A_316 = arith.constant 0 : i32
        %dma_start3A_317 = tpu.memref_slice %arg3[%run_scoped3A_3, %arg1, %dma_start3A_316] : memref<4x4x20736xf32, #tpu.memory_space<hbm>> -> memref<1x1x20736xf32, #tpu.memory_space<hbm>>
        %dma_start3A_318 = tpu.memref_squeeze %dma_start3A_317 : memref<1x1x20736xf32, #tpu.memory_space<hbm>> -> memref<20736xf32, #tpu.memory_space<hbm>>
        tpu.enqueue_dma source(%dma_start3A_318 : memref<20736xf32, #tpu.memory_space<hbm>>) target(%dma_start3A_315 : memref<20736xf32, #tpu.memory_space<vmem>>) target_semaphore(%run_scoped3A_309 : memref<!tpu.dma_semaphore, #tpu.memory_space<semaphore_mem>>)
        %dma_wait3A = arith.constant 0 : i32
        %dma_wait3A_319 = tpu.memref_slice %arg8[%dma_wait3A] : memref<20752xf32, #tpu.memory_space<vmem>> -> memref<20736xf32, #tpu.memory_space<vmem>>
        %dma_wait3A_320 = arith.constant 0 : i32
        %dma_wait3A_321 = tpu.memref_slice %arg3[%run_scoped3A_3, %arg1, %dma_wait3A_320] : memref<4x4x20736xf32, #tpu.memory_space<hbm>> -> memref<1x1x20736xf32, #tpu.memory_space<hbm>>
        %dma_wait3A_322 = tpu.memref_squeeze %dma_wait3A_321 : memref<1x1x20736xf32, #tpu.memory_space<hbm>> -> memref<20736xf32, #tpu.memory_space<hbm>>
        %dma_wait3A_323 = arith.constant 0 : i32
        %dma_wait3A_324 = tpu.memref_slice %arg8[%dma_wait3A_323] : memref<20752xf32, #tpu.memory_space<vmem>> -> memref<20736xf32, #tpu.memory_space<vmem>>
        %dma_wait3A_325 = arith.constant 0 : i32
        %dma_wait3A_326 = tpu.memref_slice %arg3[%run_scoped3A_3, %arg1, %dma_wait3A_325] : memref<4x4x20736xf32, #tpu.memory_space<hbm>> -> memref<1x1x20736xf32, #tpu.memory_space<hbm>>
        %dma_wait3A_327 = tpu.memref_squeeze %dma_wait3A_326 : memref<1x1x20736xf32, #tpu.memory_space<hbm>> -> memref<20736xf32, #tpu.memory_space<hbm>>
        tpu.wait_dma2 semaphore(%run_scoped3A_309 : memref<!tpu.dma_semaphore, #tpu.memory_space<semaphore_mem>>) src(%dma_wait3A_327 : memref<20736xf32, #tpu.memory_space<hbm>>) dst(%dma_wait3A_324 : memref<20736xf32, #tpu.memory_space<vmem>>)
        tpu.yield
      }) : () -> ()
      %run_scoped3A_4 = arith.constant 2 : i32
      "tpu.region"() ({
        %run_scoped3A_309 = tpu.sem_alloc : memref<!tpu.dma_semaphore, #tpu.memory_space<semaphore_mem>>
        %dma_start3A = arith.constant 0 : i32
        %dma_start3A_310 = tpu.memref_slice %arg9[%dma_start3A] : memref<20752xf32, #tpu.memory_space<vmem>> -> memref<20736xf32, #tpu.memory_space<vmem>>
        %dma_start3A_311 = arith.constant 0 : i32
        %dma_start3A_312 = tpu.memref_slice %arg3[%run_scoped3A_4, %arg1, %dma_start3A_311] : memref<4x4x20736xf32, #tpu.memory_space<hbm>> -> memref<1x1x20736xf32, #tpu.memory_space<hbm>>
        %dma_start3A_313 = tpu.memref_squeeze %dma_start3A_312 : memref<1x1x20736xf32, #tpu.memory_space<hbm>> -> memref<20736xf32, #tpu.memory_space<hbm>>
        %dma_start3A_314 = arith.constant 0 : i32
        %dma_start3A_315 = tpu.memref_slice %arg9[%dma_start3A_314] : memref<20752xf32, #tpu.memory_space<vmem>> -> memref<20736xf32, #tpu.memory_space<vmem>>
        %dma_start3A_316 = arith.constant 0 : i32
        %dma_start3A_317 = tpu.memref_slice %arg3[%run_scoped3A_4, %arg1, %dma_start3A_316] : memref<4x4x20736xf32, #tpu.memory_space<hbm>> -> memref<1x1x20736xf32, #tpu.memory_space<hbm>>
        %dma_start3A_318 = tpu.memref_squeeze %dma_start3A_317 : memref<1x1x20736xf32, #tpu.memory_space<hbm>> -> memref<20736xf32, #tpu.memory_space<hbm>>
        tpu.enqueue_dma source(%dma_start3A_318 : memref<20736xf32, #tpu.memory_space<hbm>>) target(%dma_start3A_315 : memref<20736xf32, #tpu.memory_space<vmem>>) target_semaphore(%run_scoped3A_309 : memref<!tpu.dma_semaphore, #tpu.memory_space<semaphore_mem>>)
        %dma_wait3A = arith.constant 0 : i32
        %dma_wait3A_319 = tpu.memref_slice %arg9[%dma_wait3A] : memref<20752xf32, #tpu.memory_space<vmem>> -> memref<20736xf32, #tpu.memory_space<vmem>>
        %dma_wait3A_320 = arith.constant 0 : i32
        %dma_wait3A_321 = tpu.memref_slice %arg3[%run_scoped3A_4, %arg1, %dma_wait3A_320] : memref<4x4x20736xf32, #tpu.memory_space<hbm>> -> memref<1x1x20736xf32, #tpu.memory_space<hbm>>
        %dma_wait3A_322 = tpu.memref_squeeze %dma_wait3A_321 : memref<1x1x20736xf32, #tpu.memory_space<hbm>> -> memref<20736xf32, #tpu.memory_space<hbm>>
        %dma_wait3A_323 = arith.constant 0 : i32
        %dma_wait3A_324 = tpu.memref_slice %arg9[%dma_wait3A_323] : memref<20752xf32, #tpu.memory_space<vmem>> -> memref<20736xf32, #tpu.memory_space<vmem>>
        %dma_wait3A_325 = arith.constant 0 : i32
        %dma_wait3A_326 = tpu.memref_slice %arg3[%run_scoped3A_4, %arg1, %dma_wait3A_325] : memref<4x4x20736xf32, #tpu.memory_space<hbm>> -> memref<1x1x20736xf32, #tpu.memory_space<hbm>>
        %dma_wait3A_327 = tpu.memref_squeeze %dma_wait3A_326 : memref<1x1x20736xf32, #tpu.memory_space<hbm>> -> memref<20736xf32, #tpu.memory_space<hbm>>
        tpu.wait_dma2 semaphore(%run_scoped3A_309 : memref<!tpu.dma_semaphore, #tpu.memory_space<semaphore_mem>>) src(%dma_wait3A_327 : memref<20736xf32, #tpu.memory_space<hbm>>) dst(%dma_wait3A_324 : memref<20736xf32, #tpu.memory_space<vmem>>)
        tpu.yield
      }) : () -> ()
      %run_scoped3A_5 = arith.constant 3 : i32
      "tpu.region"() ({
        %run_scoped3A_309 = tpu.sem_alloc : memref<!tpu.dma_semaphore, #tpu.memory_space<semaphore_mem>>
        %dma_start3A = arith.constant 0 : i32
        %dma_start3A_310 = tpu.memref_slice %arg10[%dma_start3A] : memref<20752xf32, #tpu.memory_space<vmem>> -> memref<20736xf32, #tpu.memory_space<vmem>>
        %dma_start3A_311 = arith.constant 0 : i32
        %dma_start3A_312 = tpu.memref_slice %arg3[%run_scoped3A_5, %arg1, %dma_start3A_311] : memref<4x4x20736xf32, #tpu.memory_space<hbm>> -> memref<1x1x20736xf32, #tpu.memory_space<hbm>>
        %dma_start3A_313 = tpu.memref_squeeze %dma_start3A_312 : memref<1x1x20736xf32, #tpu.memory_space<hbm>> -> memref<20736xf32, #tpu.memory_space<hbm>>
        %dma_start3A_314 = arith.constant 0 : i32
        %dma_start3A_315 = tpu.memref_slice %arg10[%dma_start3A_314] : memref<20752xf32, #tpu.memory_space<vmem>> -> memref<20736xf32, #tpu.memory_space<vmem>>
        %dma_start3A_316 = arith.constant 0 : i32
        %dma_start3A_317 = tpu.memref_slice %arg3[%run_scoped3A_5, %arg1, %dma_start3A_316] : memref<4x4x20736xf32, #tpu.memory_space<hbm>> -> memref<1x1x20736xf32, #tpu.memory_space<hbm>>
        %dma_start3A_318 = tpu.memref_squeeze %dma_start3A_317 : memref<1x1x20736xf32, #tpu.memory_space<hbm>> -> memref<20736xf32, #tpu.memory_space<hbm>>
        tpu.enqueue_dma source(%dma_start3A_318 : memref<20736xf32, #tpu.memory_space<hbm>>) target(%dma_start3A_315 : memref<20736xf32, #tpu.memory_space<vmem>>) target_semaphore(%run_scoped3A_309 : memref<!tpu.dma_semaphore, #tpu.memory_space<semaphore_mem>>)
        %dma_wait3A = arith.constant 0 : i32
        %dma_wait3A_319 = tpu.memref_slice %arg10[%dma_wait3A] : memref<20752xf32, #tpu.memory_space<vmem>> -> memref<20736xf32, #tpu.memory_space<vmem>>
        %dma_wait3A_320 = arith.constant 0 : i32
        %dma_wait3A_321 = tpu.memref_slice %arg3[%run_scoped3A_5, %arg1, %dma_wait3A_320] : memref<4x4x20736xf32, #tpu.memory_space<hbm>> -> memref<1x1x20736xf32, #tpu.memory_space<hbm>>
        %dma_wait3A_322 = tpu.memref_squeeze %dma_wait3A_321 : memref<1x1x20736xf32, #tpu.memory_space<hbm>> -> memref<20736xf32, #tpu.memory_space<hbm>>
        %dma_wait3A_323 = arith.constant 0 : i32
        %dma_wait3A_324 = tpu.memref_slice %arg10[%dma_wait3A_323] : memref<20752xf32, #tpu.memory_space<vmem>> -> memref<20736xf32, #tpu.memory_space<vmem>>
        %dma_wait3A_325 = arith.constant 0 : i32
        %dma_wait3A_326 = tpu.memref_slice %arg3[%run_scoped3A_5, %arg1, %dma_wait3A_325] : memref<4x4x20736xf32, #tpu.memory_space<hbm>> -> memref<1x1x20736xf32, #tpu.memory_space<hbm>>
        %dma_wait3A_327 = tpu.memref_squeeze %dma_wait3A_326 : memref<1x1x20736xf32, #tpu.memory_space<hbm>> -> memref<20736xf32, #tpu.memory_space<hbm>>
        tpu.wait_dma2 semaphore(%run_scoped3A_309 : memref<!tpu.dma_semaphore, #tpu.memory_space<semaphore_mem>>) src(%dma_wait3A_327 : memref<20736xf32, #tpu.memory_space<hbm>>) dst(%dma_wait3A_324 : memref<20736xf32, #tpu.memory_space<vmem>>)
        tpu.yield
      }) : () -> ()
      %iota3A = tpu.iota {dimensions = array<i32: 0>} : vector<16xi32>
      %broadcast_in_dim3A = arith.constant 0xFF800000 : f32
      %broadcast_in_dim3A_6 = vector.broadcast %broadcast_in_dim3A : f32 to vector<16xf32>
      %broadcast_in_dim3A_7 = arith.constant 0.000000e+00 : f32
      %broadcast_in_dim3A_8 = vector.broadcast %broadcast_in_dim3A_7 : f32 to vector<16xf32>
      %eq3A_9 = arith.constant 0 : i32
      %eq3A_10 = vector.broadcast %eq3A_9 : i32 to vector<16xi32>
      %eq3A_11 = arith.cmpi eq, %iota3A, %eq3A_10 : vector<16xi32>
      %swap3A = arith.constant 0 : index
      %swap3A_12 = tpu.vector_load %arg16[%swap3A] {strides = array<i32>} : memref<512xf32, #tpu.memory_space<vmem>>, vector<16xf32>,
      tpu.vector_store %arg16[%swap3A], %broadcast_in_dim3A_8 {strides = array<i32>} : memref<512xf32, #tpu.memory_space<vmem>>, vector<16xf32>,
      %swap3A_13 = arith.constant 16 : index
      %swap3A_14 = tpu.vector_load %arg16[%swap3A_13] {strides = array<i32>} : memref<512xf32, #tpu.memory_space<vmem>>, vector<16xf32>,
      tpu.vector_store %arg16[%swap3A_13], %broadcast_in_dim3A_8 {strides = array<i32>} : memref<512xf32, #tpu.memory_space<vmem>>, vector<16xf32>,
      %swap3A_15 = arith.constant 32 : index
      %swap3A_16 = tpu.vector_load %arg16[%swap3A_15] {strides = array<i32>} : memref<512xf32, #tpu.memory_space<vmem>>, vector<16xf32>,
      tpu.vector_store %arg16[%swap3A_15], %broadcast_in_dim3A_8 {strides = array<i32>} : memref<512xf32, #tpu.memory_space<vmem>>, vector<16xf32>,
      %swap3A_17 = arith.constant 48 : index
      %swap3A_18 = tpu.vector_load %arg16[%swap3A_17] {strides = array<i32>} : memref<512xf32, #tpu.memory_space<vmem>>, vector<16xf32>,
      tpu.vector_store %arg16[%swap3A_17], %broadcast_in_dim3A_8 {strides = array<i32>} : memref<512xf32, #tpu.memory_space<vmem>>, vector<16xf32>,
      %swap3A_19 = arith.constant 64 : index
      %swap3A_20 = tpu.vector_load %arg16[%swap3A_19] {strides = array<i32>} : memref<512xf32, #tpu.memory_space<vmem>>, vector<16xf32>,
      tpu.vector_store %arg16[%swap3A_19], %broadcast_in_dim3A_8 {strides = array<i32>} : memref<512xf32, #tpu.memory_space<vmem>>, vector<16xf32>,
      %swap3A_21 = arith.constant 80 : index
      %swap3A_22 = tpu.vector_load %arg16[%swap3A_21] {strides = array<i32>} : memref<512xf32, #tpu.memory_space<vmem>>, vector<16xf32>,
      tpu.vector_store %arg16[%swap3A_21], %broadcast_in_dim3A_8 {strides = array<i32>} : memref<512xf32, #tpu.memory_space<vmem>>, vector<16xf32>,
      %swap3A_23 = arith.constant 96 : index
      %swap3A_24 = tpu.vector_load %arg16[%swap3A_23] {strides = array<i32>} : memref<512xf32, #tpu.memory_space<vmem>>, vector<16xf32>,
      tpu.vector_store %arg16[%swap3A_23], %broadcast_in_dim3A_8 {strides = array<i32>} : memref<512xf32, #tpu.memory_space<vmem>>, vector<16xf32>,
      %swap3A_25 = arith.constant 112 : index
      %swap3A_26 = tpu.vector_load %arg16[%swap3A_25] {strides = array<i32>} : memref<512xf32, #tpu.memory_space<vmem>>, vector<16xf32>,
      tpu.vector_store %arg16[%swap3A_25], %broadcast_in_dim3A_8 {strides = array<i32>} : memref<512xf32, #tpu.memory_space<vmem>>, vector<16xf32>,
      %swap3A_27 = arith.constant 128 : index
      %swap3A_28 = tpu.vector_load %arg16[%swap3A_27] {strides = array<i32>} : memref<512xf32, #tpu.memory_space<vmem>>, vector<16xf32>,
      tpu.vector_store %arg16[%swap3A_27], %broadcast_in_dim3A_8 {strides = array<i32>} : memref<512xf32, #tpu.memory_space<vmem>>, vector<16xf32>,
      %swap3A_29 = arith.constant 144 : index
      %swap3A_30 = tpu.vector_load %arg16[%swap3A_29] {strides = array<i32>} : memref<512xf32, #tpu.memory_space<vmem>>, vector<16xf32>,
      tpu.vector_store %arg16[%swap3A_29], %broadcast_in_dim3A_8 {strides = array<i32>} : memref<512xf32, #tpu.memory_space<vmem>>, vector<16xf32>,
      %swap3A_31 = arith.constant 160 : index
      %swap3A_32 = tpu.vector_load %arg16[%swap3A_31] {strides = array<i32>} : memref<512xf32, #tpu.memory_space<vmem>>, vector<16xf32>,
      tpu.vector_store %arg16[%swap3A_31], %broadcast_in_dim3A_8 {strides = array<i32>} : memref<512xf32, #tpu.memory_space<vmem>>, vector<16xf32>,
      %swap3A_33 = arith.constant 176 : index
      %swap3A_34 = tpu.vector_load %arg16[%swap3A_33] {strides = array<i32>} : memref<512xf32, #tpu.memory_space<vmem>>, vector<16xf32>,
      tpu.vector_store %arg16[%swap3A_33], %broadcast_in_dim3A_8 {strides = array<i32>} : memref<512xf32, #tpu.memory_space<vmem>>, vector<16xf32>,
      %swap3A_35 = arith.constant 192 : index
      %swap3A_36 = tpu.vector_load %arg16[%swap3A_35] {strides = array<i32>} : memref<512xf32, #tpu.memory_space<vmem>>, vector<16xf32>,
      tpu.vector_store %arg16[%swap3A_35], %broadcast_in_dim3A_8 {strides = array<i32>} : memref<512xf32, #tpu.memory_space<vmem>>, vector<16xf32>,
      %swap3A_37 = arith.constant 208 : index
      %swap3A_38 = tpu.vector_load %arg16[%swap3A_37] {strides = array<i32>} : memref<512xf32, #tpu.memory_space<vmem>>, vector<16xf32>,
      tpu.vector_store %arg16[%swap3A_37], %broadcast_in_dim3A_8 {strides = array<i32>} : memref<512xf32, #tpu.memory_space<vmem>>, vector<16xf32>,
      %swap3A_39 = arith.constant 224 : index
      %swap3A_40 = tpu.vector_load %arg16[%swap3A_39] {strides = array<i32>} : memref<512xf32, #tpu.memory_space<vmem>>, vector<16xf32>,
      tpu.vector_store %arg16[%swap3A_39], %broadcast_in_dim3A_8 {strides = array<i32>} : memref<512xf32, #tpu.memory_space<vmem>>, vector<16xf32>,
      %swap3A_41 = arith.constant 240 : index
      %swap3A_42 = tpu.vector_load %arg16[%swap3A_41] {strides = array<i32>} : memref<512xf32, #tpu.memory_space<vmem>>, vector<16xf32>,
      tpu.vector_store %arg16[%swap3A_41], %broadcast_in_dim3A_8 {strides = array<i32>} : memref<512xf32, #tpu.memory_space<vmem>>, vector<16xf32>,
      %swap3A_43 = arith.constant 256 : index
      %swap3A_44 = tpu.vector_load %arg16[%swap3A_43] {strides = array<i32>} : memref<512xf32, #tpu.memory_space<vmem>>, vector<16xf32>,
      tpu.vector_store %arg16[%swap3A_43], %broadcast_in_dim3A_8 {strides = array<i32>} : memref<512xf32, #tpu.memory_space<vmem>>, vector<16xf32>,
      %swap3A_45 = arith.constant 272 : index
      %swap3A_46 = tpu.vector_load %arg16[%swap3A_45] {strides = array<i32>} : memref<512xf32, #tpu.memory_space<vmem>>, vector<16xf32>,
      tpu.vector_store %arg16[%swap3A_45], %broadcast_in_dim3A_8 {strides = array<i32>} : memref<512xf32, #tpu.memory_space<vmem>>, vector<16xf32>,
      %swap3A_47 = arith.constant 288 : index
      %swap3A_48 = tpu.vector_load %arg16[%swap3A_47] {strides = array<i32>} : memref<512xf32, #tpu.memory_space<vmem>>, vector<16xf32>,
      tpu.vector_store %arg16[%swap3A_47], %broadcast_in_dim3A_8 {strides = array<i32>} : memref<512xf32, #tpu.memory_space<vmem>>, vector<16xf32>,
      %swap3A_49 = arith.constant 304 : index
      %swap3A_50 = tpu.vector_load %arg16[%swap3A_49] {strides = array<i32>} : memref<512xf32, #tpu.memory_space<vmem>>, vector<16xf32>,
      tpu.vector_store %arg16[%swap3A_49], %broadcast_in_dim3A_8 {strides = array<i32>} : memref<512xf32, #tpu.memory_space<vmem>>, vector<16xf32>,
      %swap3A_51 = arith.constant 320 : index
      %swap3A_52 = tpu.vector_load %arg16[%swap3A_51] {strides = array<i32>} : memref<512xf32, #tpu.memory_space<vmem>>, vector<16xf32>,
      tpu.vector_store %arg16[%swap3A_51], %broadcast_in_dim3A_8 {strides = array<i32>} : memref<512xf32, #tpu.memory_space<vmem>>, vector<16xf32>,
      %swap3A_53 = arith.constant 336 : index
      %swap3A_54 = tpu.vector_load %arg16[%swap3A_53] {strides = array<i32>} : memref<512xf32, #tpu.memory_space<vmem>>, vector<16xf32>,
      tpu.vector_store %arg16[%swap3A_53], %broadcast_in_dim3A_8 {strides = array<i32>} : memref<512xf32, #tpu.memory_space<vmem>>, vector<16xf32>,
      %swap3A_55 = arith.constant 352 : index
      %swap3A_56 = tpu.vector_load %arg16[%swap3A_55] {strides = array<i32>} : memref<512xf32, #tpu.memory_space<vmem>>, vector<16xf32>,
      tpu.vector_store %arg16[%swap3A_55], %broadcast_in_dim3A_8 {strides = array<i32>} : memref<512xf32, #tpu.memory_space<vmem>>, vector<16xf32>,
      %swap3A_57 = arith.constant 368 : index
      %swap3A_58 = tpu.vector_load %arg16[%swap3A_57] {strides = array<i32>} : memref<512xf32, #tpu.memory_space<vmem>>, vector<16xf32>,
      tpu.vector_store %arg16[%swap3A_57], %broadcast_in_dim3A_8 {strides = array<i32>} : memref<512xf32, #tpu.memory_space<vmem>>, vector<16xf32>,
      %swap3A_59 = arith.constant 384 : index
      %swap3A_60 = tpu.vector_load %arg16[%swap3A_59] {strides = array<i32>} : memref<512xf32, #tpu.memory_space<vmem>>, vector<16xf32>,
      tpu.vector_store %arg16[%swap3A_59], %broadcast_in_dim3A_8 {strides = array<i32>} : memref<512xf32, #tpu.memory_space<vmem>>, vector<16xf32>,
      %swap3A_61 = arith.constant 400 : index
      %swap3A_62 = tpu.vector_load %arg16[%swap3A_61] {strides = array<i32>} : memref<512xf32, #tpu.memory_space<vmem>>, vector<16xf32>,
      tpu.vector_store %arg16[%swap3A_61], %broadcast_in_dim3A_8 {strides = array<i32>} : memref<512xf32, #tpu.memory_space<vmem>>, vector<16xf32>,
      %swap3A_63 = arith.constant 416 : index
      %swap3A_64 = tpu.vector_load %arg16[%swap3A_63] {strides = array<i32>} : memref<512xf32, #tpu.memory_space<vmem>>, vector<16xf32>,
      tpu.vector_store %arg16[%swap3A_63], %broadcast_in_dim3A_8 {strides = array<i32>} : memref<512xf32, #tpu.memory_space<vmem>>, vector<16xf32>,
      %swap3A_65 = arith.constant 432 : index
      %swap3A_66 = tpu.vector_load %arg16[%swap3A_65] {strides = array<i32>} : memref<512xf32, #tpu.memory_space<vmem>>, vector<16xf32>,
      tpu.vector_store %arg16[%swap3A_65], %broadcast_in_dim3A_8 {strides = array<i32>} : memref<512xf32, #tpu.memory_space<vmem>>, vector<16xf32>,
      %swap3A_67 = arith.constant 448 : index
      %swap3A_68 = tpu.vector_load %arg16[%swap3A_67] {strides = array<i32>} : memref<512xf32, #tpu.memory_space<vmem>>, vector<16xf32>,
      tpu.vector_store %arg16[%swap3A_67], %broadcast_in_dim3A_8 {strides = array<i32>} : memref<512xf32, #tpu.memory_space<vmem>>, vector<16xf32>,
      %swap3A_69 = arith.constant 464 : index
      %swap3A_70 = tpu.vector_load %arg16[%swap3A_69] {strides = array<i32>} : memref<512xf32, #tpu.memory_space<vmem>>, vector<16xf32>,
      tpu.vector_store %arg16[%swap3A_69], %broadcast_in_dim3A_8 {strides = array<i32>} : memref<512xf32, #tpu.memory_space<vmem>>, vector<16xf32>,
      %swap3A_71 = arith.constant 480 : index
      %swap3A_72 = tpu.vector_load %arg16[%swap3A_71] {strides = array<i32>} : memref<512xf32, #tpu.memory_space<vmem>>, vector<16xf32>,
      tpu.vector_store %arg16[%swap3A_71], %broadcast_in_dim3A_8 {strides = array<i32>} : memref<512xf32, #tpu.memory_space<vmem>>, vector<16xf32>,
      %swap3A_73 = arith.constant 496 : index
      %swap3A_74 = tpu.vector_load %arg16[%swap3A_73] {strides = array<i32>} : memref<512xf32, #tpu.memory_space<vmem>>, vector<16xf32>,
      tpu.vector_store %arg16[%swap3A_73], %broadcast_in_dim3A_8 {strides = array<i32>} : memref<512xf32, #tpu.memory_space<vmem>>, vector<16xf32>,
      %scan3A = arith.constant 0 : i32
      %scan3A_75 = arith.constant 0 : i32
      %scan3A_76 = arith.constant 324 : i32
      %scan3A_77 = arith.addi %scan3A_75, %scan3A_76 : i32
      %scan3A_78 = arith.constant 1 : i32
      %scan3A_79 = scf.for %scan3A_309 = %scan3A_75 to %scan3A_77 step %scan3A_78 iter_args(%scan3A_310 = %scan3A) -> (i32)  : i32 {
        %mul3A = arith.constant 64 : i32
        %mul3A_311 = arith.muli %scan3A_309, %mul3A : i32
        %get3A = arith.index_cast %mul3A_311 : i32 to index
        %get3A_312 = tpu.vector_load %arg5[%get3A] {strides = array<i32>} : memref<20752xf32, #tpu.memory_space<vmem>>, vector<16xf32>,
        %add3A_313 = arith.constant 16 : i32
        %add3A_314 = arith.addi %mul3A_311, %add3A_313 : i32
        %get3A_315 = arith.index_cast %add3A_314 : i32 to index
        %get3A_316 = tpu.vector_load %arg5[%get3A_315] {strides = array<i32>} : memref<20752xf32, #tpu.memory_space<vmem>>, vector<16xf32>,
        %add3A_317 = arith.constant 32 : i32
        %add3A_318 = arith.addi %mul3A_311, %add3A_317 : i32
        %get3A_319 = arith.index_cast %add3A_318 : i32 to index
        %get3A_320 = tpu.vector_load %arg5[%get3A_319] {strides = array<i32>} : memref<20752xf32, #tpu.memory_space<vmem>>, vector<16xf32>,
        %add3A_321 = arith.constant 48 : i32
        %add3A_322 = arith.addi %mul3A_311, %add3A_321 : i32
        %get3A_323 = arith.index_cast %add3A_322 : i32 to index
        %get3A_324 = tpu.vector_load %arg5[%get3A_323] {strides = array<i32>} : memref<20752xf32, #tpu.memory_space<vmem>>, vector<16xf32>,
        %gt3A_325 = arith.constant 0.899999976 : f32
        %gt3A_326 = vector.broadcast %gt3A_325 : f32 to vector<16xf32>
        %gt3A_327 = arith.cmpf ogt, %get3A_312, %gt3A_326 : vector<16xf32>
        %gt3A_328 = arith.constant 0.899999976 : f32
        %gt3A_329 = vector.broadcast %gt3A_328 : f32 to vector<16xf32>
        %gt3A_330 = arith.cmpf ogt, %get3A_316, %gt3A_329 : vector<16xf32>
        %gt3A_331 = arith.constant 0.899999976 : f32
        %gt3A_332 = vector.broadcast %gt3A_331 : f32 to vector<16xf32>
        %gt3A_333 = arith.cmpf ogt, %get3A_320, %gt3A_332 : vector<16xf32>
        %gt3A_334 = arith.constant 0.899999976 : f32
        %gt3A_335 = vector.broadcast %gt3A_334 : f32 to vector<16xf32>
        %gt3A_336 = arith.cmpf ogt, %get3A_324, %gt3A_335 : vector<16xf32>
        %all_reduce_population_count3A = tpu.all_reduce %gt3A_327 {dim = 0 : i64, kind = #tpu.reduction_kind<sum>} : vector<16xi1> -> vector<16xi32>
        %slice3A = vector.extract_strided_slice %all_reduce_population_count3A {offsets = [0], sizes = [1], strides = [1]} : vector<16xi32> to vector<1xi32>
        %squeeze3A = vector.extract %slice3A[0] : i32 from vector<1xi32>
        %all_reduce_population_count3A_337 = tpu.all_reduce %gt3A_330 {dim = 0 : i64, kind = #tpu.reduction_kind<sum>} : vector<16xi1> -> vector<16xi32>
        %slice3A_338 = vector.extract_strided_slice %all_reduce_population_count3A_337 {offsets = [0], sizes = [1], strides = [1]} : vector<16xi32> to vector<1xi32>
        %squeeze3A_339 = vector.extract %slice3A_338[0] : i32 from vector<1xi32>
        %all_reduce_population_count3A_340 = tpu.all_reduce %gt3A_333 {dim = 0 : i64, kind = #tpu.reduction_kind<sum>} : vector<16xi1> -> vector<16xi32>
        %slice3A_341 = vector.extract_strided_slice %all_reduce_population_count3A_340 {offsets = [0], sizes = [1], strides = [1]} : vector<16xi32> to vector<1xi32>
        %squeeze3A_342 = vector.extract %slice3A_341[0] : i32 from vector<1xi32>
        %all_reduce_population_count3A_343 = tpu.all_reduce %gt3A_336 {dim = 0 : i64, kind = #tpu.reduction_kind<sum>} : vector<16xi1> -> vector<16xi32>
        %slice3A_344 = vector.extract_strided_slice %all_reduce_population_count3A_343 {offsets = [0], sizes = [1], strides = [1]} : vector<16xi32> to vector<1xi32>
        %squeeze3A_345 = vector.extract %slice3A_344[0] : i32 from vector<1xi32>
        %add3A_346 = arith.addi %scan3A_310, %squeeze3A : i32
        %add3A_347 = arith.addi %add3A_346, %squeeze3A_339 : i32
        %add3A_348 = arith.addi %add3A_347, %squeeze3A_342 : i32
        %swap3A_349 = arith.index_cast %scan3A_310 : i32 to index
        %swap3A_350 = tpu.vector_load %arg5[%swap3A_349] masked %gt3A_327 {strides = array<i32>} : memref<20752xf32, #tpu.memory_space<vmem>>, vector<16xf32>, vector<16xi1>
        tpu.vector_store %arg5[%swap3A_349], %get3A_312 masked %gt3A_327 {strides = array<i32>} : memref<20752xf32, #tpu.memory_space<vmem>>, vector<16xf32>, vector<16xi1>
        %add3A_351 = vector.broadcast %mul3A_311 : i32 to vector<16xi32>
        %add3A_352 = arith.addi %iota3A, %add3A_351 : vector<16xi32>
        %swap3A_353 = arith.index_cast %scan3A_310 : i32 to index
        %swap3A_354 = tpu.vector_load %arg6[%swap3A_353] masked %gt3A_327 {strides = array<i32>} : memref<20752xi32, #tpu.memory_space<vmem>>, vector<16xi32>, vector<16xi1>
        tpu.vector_store %arg6[%swap3A_353], %add3A_352 masked %gt3A_327 {strides = array<i32>} : memref<20752xi32, #tpu.memory_space<vmem>>, vector<16xi32>, vector<16xi1>
        %swap3A_355 = arith.index_cast %add3A_346 : i32 to index
        %swap3A_356 = tpu.vector_load %arg5[%swap3A_355] masked %gt3A_330 {strides = array<i32>} : memref<20752xf32, #tpu.memory_space<vmem>>, vector<16xf32>, vector<16xi1>
        tpu.vector_store %arg5[%swap3A_355], %get3A_316 masked %gt3A_330 {strides = array<i32>} : memref<20752xf32, #tpu.memory_space<vmem>>, vector<16xf32>, vector<16xi1>
        %add3A_357 = vector.broadcast %mul3A_311 : i32 to vector<16xi32>
        %add3A_358 = arith.addi %iota3A, %add3A_357 : vector<16xi32>
        %add3A_359 = arith.constant 16 : i32
        %add3A_360 = vector.broadcast %add3A_359 : i32 to vector<16xi32>
        %add3A_361 = arith.addi %add3A_358, %add3A_360 : vector<16xi32>
        %swap3A_362 = arith.index_cast %add3A_346 : i32 to index
        %swap3A_363 = tpu.vector_load %arg6[%swap3A_362] masked %gt3A_330 {strides = array<i32>} : memref<20752xi32, #tpu.memory_space<vmem>>, vector<16xi32>, vector<16xi1>
        tpu.vector_store %arg6[%swap3A_362], %add3A_361 masked %gt3A_330 {strides = array<i32>} : memref<20752xi32, #tpu.memory_space<vmem>>, vector<16xi32>, vector<16xi1>
        %swap3A_364 = arith.index_cast %add3A_347 : i32 to index
        %swap3A_365 = tpu.vector_load %arg5[%swap3A_364] masked %gt3A_333 {strides = array<i32>} : memref<20752xf32, #tpu.memory_space<vmem>>, vector<16xf32>, vector<16xi1>
        tpu.vector_store %arg5[%swap3A_364], %get3A_320 masked %gt3A_333 {strides = array<i32>} : memref<20752xf32, #tpu.memory_space<vmem>>, vector<16xf32>, vector<16xi1>
        %add3A_366 = vector.broadcast %mul3A_311 : i32 to vector<16xi32>
        %add3A_367 = arith.addi %iota3A, %add3A_366 : vector<16xi32>
        %add3A_368 = arith.constant 32 : i32
        %add3A_369 = vector.broadcast %add3A_368 : i32 to vector<16xi32>
        %add3A_370 = arith.addi %add3A_367, %add3A_369 : vector<16xi32>
        %swap3A_371 = arith.index_cast %add3A_347 : i32 to index
        %swap3A_372 = tpu.vector_load %arg6[%swap3A_371] masked %gt3A_333 {strides = array<i32>} : memref<20752xi32, #tpu.memory_space<vmem>>, vector<16xi32>, vector<16xi1>
        tpu.vector_store %arg6[%swap3A_371], %add3A_370 masked %gt3A_333 {strides = array<i32>} : memref<20752xi32, #tpu.memory_space<vmem>>, vector<16xi32>, vector<16xi1>
        %swap3A_373 = arith.index_cast %add3A_348 : i32 to index
        %swap3A_374 = tpu.vector_load %arg5[%swap3A_373] masked %gt3A_336 {strides = array<i32>} : memref<20752xf32, #tpu.memory_space<vmem>>, vector<16xf32>, vector<16xi1>
        tpu.vector_store %arg5[%swap3A_373], %get3A_324 masked %gt3A_336 {strides = array<i32>} : memref<20752xf32, #tpu.memory_space<vmem>>, vector<16xf32>, vector<16xi1>
        %add3A_375 = vector.broadcast %mul3A_311 : i32 to vector<16xi32>
        %add3A_376 = arith.addi %iota3A, %add3A_375 : vector<16xi32>
        %add3A_377 = arith.constant 48 : i32
        %add3A_378 = vector.broadcast %add3A_377 : i32 to vector<16xi32>
        %add3A_379 = arith.addi %add3A_376, %add3A_378 : vector<16xi32>
        %swap3A_380 = arith.index_cast %add3A_348 : i32 to index
        %swap3A_381 = tpu.vector_load %arg6[%swap3A_380] masked %gt3A_336 {strides = array<i32>} : memref<20752xi32, #tpu.memory_space<vmem>>, vector<16xi32>, vector<16xi1>
        tpu.vector_store %arg6[%swap3A_380], %add3A_379 masked %gt3A_336 {strides = array<i32>} : memref<20752xi32, #tpu.memory_space<vmem>>, vector<16xi32>, vector<16xi1>
        %add3A_382 = arith.addi %add3A_348, %squeeze3A_345 : i32
        scf.yield %add3A_382 : i32
      }
      %scan3A_80 = arith.constant 324 : i32
      %swap3A_81 = arith.index_cast %scan3A_79 : i32 to index
      %swap3A_82 = tpu.vector_load %arg5[%swap3A_81] {strides = array<i32>} : memref<20752xf32, #tpu.memory_space<vmem>>, vector<16xf32>,
      tpu.vector_store %arg5[%swap3A_81], %broadcast_in_dim3A_6 {strides = array<i32>} : memref<20752xf32, #tpu.memory_space<vmem>>, vector<16xf32>,
      %add3A = arith.constant 16 : i32
      %add3A_83 = arith.addi %scan3A_79, %add3A : i32
      %sub3A = arith.constant 1 : i32
      %sub3A_84 = arith.subi %add3A_83, %sub3A : i32
      %jit3A = arith.constant 16 : i32
      %div3A = arith.divsi %sub3A_84, %jit3A : i32
      %sign3A = arith.constant 0 : i32
      %sign3A_85 = arith.cmpi sgt, %sub3A_84, %sign3A : i32
      %sign3A_86 = arith.extui %sign3A_85 : i1 to i32
      %sign3A_87 = arith.constant 0 : i32
      %sign3A_88 = arith.cmpi slt, %sub3A_84, %sign3A_87 : i32
      %sign3A_89 = arith.extui %sign3A_88 : i1 to i32
      %sign3A_90 = arith.subi %sign3A_86, %sign3A_89 : i32
      %sign3A_91 = arith.constant 0 : i32
      %sign3A_92 = arith.cmpi sgt, %jit3A, %sign3A_91 : i32
      %sign3A_93 = arith.extui %sign3A_92 : i1 to i32
      %sign3A_94 = arith.constant 0 : i32
      %sign3A_95 = arith.cmpi slt, %jit3A, %sign3A_94 : i32
      %sign3A_96 = arith.extui %sign3A_95 : i1 to i32
      %sign3A_97 = arith.subi %sign3A_93, %sign3A_96 : i32
      %ne3A = arith.cmpi ne, %sign3A_90, %sign3A_97 : i32
      %rem3A = arith.remsi %sub3A_84, %jit3A : i32
      %ne3A_98 = arith.constant 0 : i32
      %ne3A_99 = arith.cmpi ne, %rem3A, %ne3A_98 : i32
      %and3A_100 = arith.andi %ne3A, %ne3A_99 : i1
      %sub3A_101 = arith.constant 1 : i32
      %sub3A_102 = arith.subi %div3A, %sub3A_101 : i32
      %select_n3A = arith.select %and3A_100, %sub3A_102, %div3A : i32
      %swap3A_103 = arith.constant 0 : index
      %swap3A_104 = tpu.vector_load %arg17[%swap3A_103] {strides = array<i32>} : memref<1312xf32, #tpu.memory_space<vmem>>, vector<16xf32>,
      tpu.vector_store %arg17[%swap3A_103], %broadcast_in_dim3A_6 {strides = array<i32>} : memref<1312xf32, #tpu.memory_space<vmem>>, vector<16xf32>,
      %swap3A_105 = arith.constant 16 : index
      %swap3A_106 = tpu.vector_load %arg17[%swap3A_105] {strides = array<i32>} : memref<1312xf32, #tpu.memory_space<vmem>>, vector<16xf32>,
      tpu.vector_store %arg17[%swap3A_105], %broadcast_in_dim3A_6 {strides = array<i32>} : memref<1312xf32, #tpu.memory_space<vmem>>, vector<16xf32>,
      %swap3A_107 = arith.constant 32 : index
      %swap3A_108 = tpu.vector_load %arg17[%swap3A_107] {strides = array<i32>} : memref<1312xf32, #tpu.memory_space<vmem>>, vector<16xf32>,
      tpu.vector_store %arg17[%swap3A_107], %broadcast_in_dim3A_6 {strides = array<i32>} : memref<1312xf32, #tpu.memory_space<vmem>>, vector<16xf32>,
      %swap3A_109 = arith.constant 48 : index
      %swap3A_110 = tpu.vector_load %arg17[%swap3A_109] {strides = array<i32>} : memref<1312xf32, #tpu.memory_space<vmem>>, vector<16xf32>,
      tpu.vector_store %arg17[%swap3A_109], %broadcast_in_dim3A_6 {strides = array<i32>} : memref<1312xf32, #tpu.memory_space<vmem>>, vector<16xf32>,
      %swap3A_111 = arith.constant 64 : index
      %swap3A_112 = tpu.vector_load %arg17[%swap3A_111] {strides = array<i32>} : memref<1312xf32, #tpu.memory_space<vmem>>, vector<16xf32>,
      tpu.vector_store %arg17[%swap3A_111], %broadcast_in_dim3A_6 {strides = array<i32>} : memref<1312xf32, #tpu.memory_space<vmem>>, vector<16xf32>,
      %swap3A_113 = arith.constant 80 : index
      %swap3A_114 = tpu.vector_load %arg17[%swap3A_113] {strides = array<i32>} : memref<1312xf32, #tpu.memory_space<vmem>>, vector<16xf32>,
      tpu.vector_store %arg17[%swap3A_113], %broadcast_in_dim3A_6 {strides = array<i32>} : memref<1312xf32, #tpu.memory_space<vmem>>, vector<16xf32>,
      %swap3A_115 = arith.constant 96 : index
      %swap3A_116 = tpu.vector_load %arg17[%swap3A_115] {strides = array<i32>} : memref<1312xf32, #tpu.memory_space<vmem>>, vector<16xf32>,
      tpu.vector_store %arg17[%swap3A_115], %broadcast_in_dim3A_6 {strides = array<i32>} : memref<1312xf32, #tpu.memory_space<vmem>>, vector<16xf32>,
      %swap3A_117 = arith.constant 112 : index
      %swap3A_118 = tpu.vector_load %arg17[%swap3A_117] {strides = array<i32>} : memref<1312xf32, #tpu.memory_space<vmem>>, vector<16xf32>,
      tpu.vector_store %arg17[%swap3A_117], %broadcast_in_dim3A_6 {strides = array<i32>} : memref<1312xf32, #tpu.memory_space<vmem>>, vector<16xf32>,
      %swap3A_119 = arith.constant 128 : index
      %swap3A_120 = tpu.vector_load %arg17[%swap3A_119] {strides = array<i32>} : memref<1312xf32, #tpu.memory_space<vmem>>, vector<16xf32>,
      tpu.vector_store %arg17[%swap3A_119], %broadcast_in_dim3A_6 {strides = array<i32>} : memref<1312xf32, #tpu.memory_space<vmem>>, vector<16xf32>,
      %swap3A_121 = arith.constant 144 : index
      %swap3A_122 = tpu.vector_load %arg17[%swap3A_121] {strides = array<i32>} : memref<1312xf32, #tpu.memory_space<vmem>>, vector<16xf32>,
      tpu.vector_store %arg17[%swap3A_121], %broadcast_in_dim3A_6 {strides = array<i32>} : memref<1312xf32, #tpu.memory_space<vmem>>, vector<16xf32>,
      %swap3A_123 = arith.constant 160 : index
      %swap3A_124 = tpu.vector_load %arg17[%swap3A_123] {strides = array<i32>} : memref<1312xf32, #tpu.memory_space<vmem>>, vector<16xf32>,
      tpu.vector_store %arg17[%swap3A_123], %broadcast_in_dim3A_6 {strides = array<i32>} : memref<1312xf32, #tpu.memory_space<vmem>>, vector<16xf32>,
      %swap3A_125 = arith.constant 176 : index
      %swap3A_126 = tpu.vector_load %arg17[%swap3A_125] {strides = array<i32>} : memref<1312xf32, #tpu.memory_space<vmem>>, vector<16xf32>,
      tpu.vector_store %arg17[%swap3A_125], %broadcast_in_dim3A_6 {strides = array<i32>} : memref<1312xf32, #tpu.memory_space<vmem>>, vector<16xf32>,
      %swap3A_127 = arith.constant 192 : index
      %swap3A_128 = tpu.vector_load %arg17[%swap3A_127] {strides = array<i32>} : memref<1312xf32, #tpu.memory_space<vmem>>, vector<16xf32>,
      tpu.vector_store %arg17[%swap3A_127], %broadcast_in_dim3A_6 {strides = array<i32>} : memref<1312xf32, #tpu.memory_space<vmem>>, vector<16xf32>,
      %swap3A_129 = arith.constant 208 : index
      %swap3A_130 = tpu.vector_load %arg17[%swap3A_129] {strides = array<i32>} : memref<1312xf32, #tpu.memory_space<vmem>>, vector<16xf32>,
      tpu.vector_store %arg17[%swap3A_129], %broadcast_in_dim3A_6 {strides = array<i32>} : memref<1312xf32, #tpu.memory_space<vmem>>, vector<16xf32>,
      %swap3A_131 = arith.constant 224 : index
      %swap3A_132 = tpu.vector_load %arg17[%swap3A_131] {strides = array<i32>} : memref<1312xf32, #tpu.memory_space<vmem>>, vector<16xf32>,
      tpu.vector_store %arg17[%swap3A_131], %broadcast_in_dim3A_6 {strides = array<i32>} : memref<1312xf32, #tpu.memory_space<vmem>>, vector<16xf32>,
      %swap3A_133 = arith.constant 240 : index
      %swap3A_134 = tpu.vector_load %arg17[%swap3A_133] {strides = array<i32>} : memref<1312xf32, #tpu.memory_space<vmem>>, vector<16xf32>,
      tpu.vector_store %arg17[%swap3A_133], %broadcast_in_dim3A_6 {strides = array<i32>} : memref<1312xf32, #tpu.memory_space<vmem>>, vector<16xf32>,
      %swap3A_135 = arith.constant 256 : index
      %swap3A_136 = tpu.vector_load %arg17[%swap3A_135] {strides = array<i32>} : memref<1312xf32, #tpu.memory_space<vmem>>, vector<16xf32>,
      tpu.vector_store %arg17[%swap3A_135], %broadcast_in_dim3A_6 {strides = array<i32>} : memref<1312xf32, #tpu.memory_space<vmem>>, vector<16xf32>,
      %swap3A_137 = arith.constant 272 : index
      %swap3A_138 = tpu.vector_load %arg17[%swap3A_137] {strides = array<i32>} : memref<1312xf32, #tpu.memory_space<vmem>>, vector<16xf32>,
      tpu.vector_store %arg17[%swap3A_137], %broadcast_in_dim3A_6 {strides = array<i32>} : memref<1312xf32, #tpu.memory_space<vmem>>, vector<16xf32>,
      %swap3A_139 = arith.constant 288 : index
      %swap3A_140 = tpu.vector_load %arg17[%swap3A_139] {strides = array<i32>} : memref<1312xf32, #tpu.memory_space<vmem>>, vector<16xf32>,
      tpu.vector_store %arg17[%swap3A_139], %broadcast_in_dim3A_6 {strides = array<i32>} : memref<1312xf32, #tpu.memory_space<vmem>>, vector<16xf32>,
      %swap3A_141 = arith.constant 304 : index
      %swap3A_142 = tpu.vector_load %arg17[%swap3A_141] {strides = array<i32>} : memref<1312xf32, #tpu.memory_space<vmem>>, vector<16xf32>,
      tpu.vector_store %arg17[%swap3A_141], %broadcast_in_dim3A_6 {strides = array<i32>} : memref<1312xf32, #tpu.memory_space<vmem>>, vector<16xf32>,
      %swap3A_143 = arith.constant 320 : index
      %swap3A_144 = tpu.vector_load %arg17[%swap3A_143] {strides = array<i32>} : memref<1312xf32, #tpu.memory_space<vmem>>, vector<16xf32>,
      tpu.vector_store %arg17[%swap3A_143], %broadcast_in_dim3A_6 {strides = array<i32>} : memref<1312xf32, #tpu.memory_space<vmem>>, vector<16xf32>,
      %swap3A_145 = arith.constant 336 : index
      %swap3A_146 = tpu.vector_load %arg17[%swap3A_145] {strides = array<i32>} : memref<1312xf32, #tpu.memory_space<vmem>>, vector<16xf32>,
      tpu.vector_store %arg17[%swap3A_145], %broadcast_in_dim3A_6 {strides = array<i32>} : memref<1312xf32, #tpu.memory_space<vmem>>, vector<16xf32>,
      %swap3A_147 = arith.constant 352 : index
      %swap3A_148 = tpu.vector_load %arg17[%swap3A_147] {strides = array<i32>} : memref<1312xf32, #tpu.memory_space<vmem>>, vector<16xf32>,
      tpu.vector_store %arg17[%swap3A_147], %broadcast_in_dim3A_6 {strides = array<i32>} : memref<1312xf32, #tpu.memory_space<vmem>>, vector<16xf32>,
      %swap3A_149 = arith.constant 368 : index
      %swap3A_150 = tpu.vector_load %arg17[%swap3A_149] {strides = array<i32>} : memref<1312xf32, #tpu.memory_space<vmem>>, vector<16xf32>,
      tpu.vector_store %arg17[%swap3A_149], %broadcast_in_dim3A_6 {strides = array<i32>} : memref<1312xf32, #tpu.memory_space<vmem>>, vector<16xf32>,
      %swap3A_151 = arith.constant 384 : index
      %swap3A_152 = tpu.vector_load %arg17[%swap3A_151] {strides = array<i32>} : memref<1312xf32, #tpu.memory_space<vmem>>, vector<16xf32>,
      tpu.vector_store %arg17[%swap3A_151], %broadcast_in_dim3A_6 {strides = array<i32>} : memref<1312xf32, #tpu.memory_space<vmem>>, vector<16xf32>,
      %swap3A_153 = arith.constant 400 : index
      %swap3A_154 = tpu.vector_load %arg17[%swap3A_153] {strides = array<i32>} : memref<1312xf32, #tpu.memory_space<vmem>>, vector<16xf32>,
      tpu.vector_store %arg17[%swap3A_153], %broadcast_in_dim3A_6 {strides = array<i32>} : memref<1312xf32, #tpu.memory_space<vmem>>, vector<16xf32>,
      %swap3A_155 = arith.constant 416 : index
      %swap3A_156 = tpu.vector_load %arg17[%swap3A_155] {strides = array<i32>} : memref<1312xf32, #tpu.memory_space<vmem>>, vector<16xf32>,
      tpu.vector_store %arg17[%swap3A_155], %broadcast_in_dim3A_6 {strides = array<i32>} : memref<1312xf32, #tpu.memory_space<vmem>>, vector<16xf32>,
      %swap3A_157 = arith.constant 432 : index
      %swap3A_158 = tpu.vector_load %arg17[%swap3A_157] {strides = array<i32>} : memref<1312xf32, #tpu.memory_space<vmem>>, vector<16xf32>,
      tpu.vector_store %arg17[%swap3A_157], %broadcast_in_dim3A_6 {strides = array<i32>} : memref<1312xf32, #tpu.memory_space<vmem>>, vector<16xf32>,
      %swap3A_159 = arith.constant 448 : index
      %swap3A_160 = tpu.vector_load %arg17[%swap3A_159] {strides = array<i32>} : memref<1312xf32, #tpu.memory_space<vmem>>, vector<16xf32>,
      tpu.vector_store %arg17[%swap3A_159], %broadcast_in_dim3A_6 {strides = array<i32>} : memref<1312xf32, #tpu.memory_space<vmem>>, vector<16xf32>,
      %swap3A_161 = arith.constant 464 : index
      %swap3A_162 = tpu.vector_load %arg17[%swap3A_161] {strides = array<i32>} : memref<1312xf32, #tpu.memory_space<vmem>>, vector<16xf32>,
      tpu.vector_store %arg17[%swap3A_161], %broadcast_in_dim3A_6 {strides = array<i32>} : memref<1312xf32, #tpu.memory_space<vmem>>, vector<16xf32>,
      %swap3A_163 = arith.constant 480 : index
      %swap3A_164 = tpu.vector_load %arg17[%swap3A_163] {strides = array<i32>} : memref<1312xf32, #tpu.memory_space<vmem>>, vector<16xf32>,
      tpu.vector_store %arg17[%swap3A_163], %broadcast_in_dim3A_6 {strides = array<i32>} : memref<1312xf32, #tpu.memory_space<vmem>>, vector<16xf32>,
      %swap3A_165 = arith.constant 496 : index
      %swap3A_166 = tpu.vector_load %arg17[%swap3A_165] {strides = array<i32>} : memref<1312xf32, #tpu.memory_space<vmem>>, vector<16xf32>,
      tpu.vector_store %arg17[%swap3A_165], %broadcast_in_dim3A_6 {strides = array<i32>} : memref<1312xf32, #tpu.memory_space<vmem>>, vector<16xf32>,
      %swap3A_167 = arith.constant 512 : index
      %swap3A_168 = tpu.vector_load %arg17[%swap3A_167] {strides = array<i32>} : memref<1312xf32, #tpu.memory_space<vmem>>, vector<16xf32>,
      tpu.vector_store %arg17[%swap3A_167], %broadcast_in_dim3A_6 {strides = array<i32>} : memref<1312xf32, #tpu.memory_space<vmem>>, vector<16xf32>,
      %swap3A_169 = arith.constant 528 : index
      %swap3A_170 = tpu.vector_load %arg17[%swap3A_169] {strides = array<i32>} : memref<1312xf32, #tpu.memory_space<vmem>>, vector<16xf32>,
      tpu.vector_store %arg17[%swap3A_169], %broadcast_in_dim3A_6 {strides = array<i32>} : memref<1312xf32, #tpu.memory_space<vmem>>, vector<16xf32>,
      %swap3A_171 = arith.constant 544 : index
      %swap3A_172 = tpu.vector_load %arg17[%swap3A_171] {strides = array<i32>} : memref<1312xf32, #tpu.memory_space<vmem>>, vector<16xf32>,
      tpu.vector_store %arg17[%swap3A_171], %broadcast_in_dim3A_6 {strides = array<i32>} : memref<1312xf32, #tpu.memory_space<vmem>>, vector<16xf32>,
      %swap3A_173 = arith.constant 560 : index
      %swap3A_174 = tpu.vector_load %arg17[%swap3A_173] {strides = array<i32>} : memref<1312xf32, #tpu.memory_space<vmem>>, vector<16xf32>,
      tpu.vector_store %arg17[%swap3A_173], %broadcast_in_dim3A_6 {strides = array<i32>} : memref<1312xf32, #tpu.memory_space<vmem>>, vector<16xf32>,
      %swap3A_175 = arith.constant 576 : index
      %swap3A_176 = tpu.vector_load %arg17[%swap3A_175] {strides = array<i32>} : memref<1312xf32, #tpu.memory_space<vmem>>, vector<16xf32>,
      tpu.vector_store %arg17[%swap3A_175], %broadcast_in_dim3A_6 {strides = array<i32>} : memref<1312xf32, #tpu.memory_space<vmem>>, vector<16xf32>,
      %swap3A_177 = arith.constant 592 : index
      %swap3A_178 = tpu.vector_load %arg17[%swap3A_177] {strides = array<i32>} : memref<1312xf32, #tpu.memory_space<vmem>>, vector<16xf32>,
      tpu.vector_store %arg17[%swap3A_177], %broadcast_in_dim3A_6 {strides = array<i32>} : memref<1312xf32, #tpu.memory_space<vmem>>, vector<16xf32>,
      %swap3A_179 = arith.constant 608 : index
      %swap3A_180 = tpu.vector_load %arg17[%swap3A_179] {strides = array<i32>} : memref<1312xf32, #tpu.memory_space<vmem>>, vector<16xf32>,
      tpu.vector_store %arg17[%swap3A_179], %broadcast_in_dim3A_6 {strides = array<i32>} : memref<1312xf32, #tpu.memory_space<vmem>>, vector<16xf32>,
      %swap3A_181 = arith.constant 624 : index
      %swap3A_182 = tpu.vector_load %arg17[%swap3A_181] {strides = array<i32>} : memref<1312xf32, #tpu.memory_space<vmem>>, vector<16xf32>,
      tpu.vector_store %arg17[%swap3A_181], %broadcast_in_dim3A_6 {strides = array<i32>} : memref<1312xf32, #tpu.memory_space<vmem>>, vector<16xf32>,
      %swap3A_183 = arith.constant 640 : index
      %swap3A_184 = tpu.vector_load %arg17[%swap3A_183] {strides = array<i32>} : memref<1312xf32, #tpu.memory_space<vmem>>, vector<16xf32>,
      tpu.vector_store %arg17[%swap3A_183], %broadcast_in_dim3A_6 {strides = array<i32>} : memref<1312xf32, #tpu.memory_space<vmem>>, vector<16xf32>,
      %swap3A_185 = arith.constant 656 : index
      %swap3A_186 = tpu.vector_load %arg17[%swap3A_185] {strides = array<i32>} : memref<1312xf32, #tpu.memory_space<vmem>>, vector<16xf32>,
      tpu.vector_store %arg17[%swap3A_185], %broadcast_in_dim3A_6 {strides = array<i32>} : memref<1312xf32, #tpu.memory_space<vmem>>, vector<16xf32>,
      %swap3A_187 = arith.constant 672 : index
      %swap3A_188 = tpu.vector_load %arg17[%swap3A_187] {strides = array<i32>} : memref<1312xf32, #tpu.memory_space<vmem>>, vector<16xf32>,
      tpu.vector_store %arg17[%swap3A_187], %broadcast_in_dim3A_6 {strides = array<i32>} : memref<1312xf32, #tpu.memory_space<vmem>>, vector<16xf32>,
      %swap3A_189 = arith.constant 688 : index
      %swap3A_190 = tpu.vector_load %arg17[%swap3A_189] {strides = array<i32>} : memref<1312xf32, #tpu.memory_space<vmem>>, vector<16xf32>,
      tpu.vector_store %arg17[%swap3A_189], %broadcast_in_dim3A_6 {strides = array<i32>} : memref<1312xf32, #tpu.memory_space<vmem>>, vector<16xf32>,
      %swap3A_191 = arith.constant 704 : index
      %swap3A_192 = tpu.vector_load %arg17[%swap3A_191] {strides = array<i32>} : memref<1312xf32, #tpu.memory_space<vmem>>, vector<16xf32>,
      tpu.vector_store %arg17[%swap3A_191], %broadcast_in_dim3A_6 {strides = array<i32>} : memref<1312xf32, #tpu.memory_space<vmem>>, vector<16xf32>,
      %swap3A_193 = arith.constant 720 : index
      %swap3A_194 = tpu.vector_load %arg17[%swap3A_193] {strides = array<i32>} : memref<1312xf32, #tpu.memory_space<vmem>>, vector<16xf32>,
      tpu.vector_store %arg17[%swap3A_193], %broadcast_in_dim3A_6 {strides = array<i32>} : memref<1312xf32, #tpu.memory_space<vmem>>, vector<16xf32>,
      %swap3A_195 = arith.constant 736 : index
      %swap3A_196 = tpu.vector_load %arg17[%swap3A_195] {strides = array<i32>} : memref<1312xf32, #tpu.memory_space<vmem>>, vector<16xf32>,
      tpu.vector_store %arg17[%swap3A_195], %broadcast_in_dim3A_6 {strides = array<i32>} : memref<1312xf32, #tpu.memory_space<vmem>>, vector<16xf32>,
      %swap3A_197 = arith.constant 752 : index
      %swap3A_198 = tpu.vector_load %arg17[%swap3A_197] {strides = array<i32>} : memref<1312xf32, #tpu.memory_space<vmem>>, vector<16xf32>,
      tpu.vector_store %arg17[%swap3A_197], %broadcast_in_dim3A_6 {strides = array<i32>} : memref<1312xf32, #tpu.memory_space<vmem>>, vector<16xf32>,
      %swap3A_199 = arith.constant 768 : index
      %swap3A_200 = tpu.vector_load %arg17[%swap3A_199] {strides = array<i32>} : memref<1312xf32, #tpu.memory_space<vmem>>, vector<16xf32>,
      tpu.vector_store %arg17[%swap3A_199], %broadcast_in_dim3A_6 {strides = array<i32>} : memref<1312xf32, #tpu.memory_space<vmem>>, vector<16xf32>,
      %swap3A_201 = arith.constant 784 : index
      %swap3A_202 = tpu.vector_load %arg17[%swap3A_201] {strides = array<i32>} : memref<1312xf32, #tpu.memory_space<vmem>>, vector<16xf32>,
      tpu.vector_store %arg17[%swap3A_201], %broadcast_in_dim3A_6 {strides = array<i32>} : memref<1312xf32, #tpu.memory_space<vmem>>, vector<16xf32>,
      %swap3A_203 = arith.constant 800 : index
      %swap3A_204 = tpu.vector_load %arg17[%swap3A_203] {strides = array<i32>} : memref<1312xf32, #tpu.memory_space<vmem>>, vector<16xf32>,
      tpu.vector_store %arg17[%swap3A_203], %broadcast_in_dim3A_6 {strides = array<i32>} : memref<1312xf32, #tpu.memory_space<vmem>>, vector<16xf32>,
      %swap3A_205 = arith.constant 816 : index
      %swap3A_206 = tpu.vector_load %arg17[%swap3A_205] {strides = array<i32>} : memref<1312xf32, #tpu.memory_space<vmem>>, vector<16xf32>,
      tpu.vector_store %arg17[%swap3A_205], %broadcast_in_dim3A_6 {strides = array<i32>} : memref<1312xf32, #tpu.memory_space<vmem>>, vector<16xf32>,
      %swap3A_207 = arith.constant 832 : index
      %swap3A_208 = tpu.vector_load %arg17[%swap3A_207] {strides = array<i32>} : memref<1312xf32, #tpu.memory_space<vmem>>, vector<16xf32>,
      tpu.vector_store %arg17[%swap3A_207], %broadcast_in_dim3A_6 {strides = array<i32>} : memref<1312xf32, #tpu.memory_space<vmem>>, vector<16xf32>,
      %swap3A_209 = arith.constant 848 : index
      %swap3A_210 = tpu.vector_load %arg17[%swap3A_209] {strides = array<i32>} : memref<1312xf32, #tpu.memory_space<vmem>>, vector<16xf32>,
      tpu.vector_store %arg17[%swap3A_209], %broadcast_in_dim3A_6 {strides = array<i32>} : memref<1312xf32, #tpu.memory_space<vmem>>, vector<16xf32>,
      %swap3A_211 = arith.constant 864 : index
      %swap3A_212 = tpu.vector_load %arg17[%swap3A_211] {strides = array<i32>} : memref<1312xf32, #tpu.memory_space<vmem>>, vector<16xf32>,
      tpu.vector_store %arg17[%swap3A_211], %broadcast_in_dim3A_6 {strides = array<i32>} : memref<1312xf32, #tpu.memory_space<vmem>>, vector<16xf32>,
      %swap3A_213 = arith.constant 880 : index
      %swap3A_214 = tpu.vector_load %arg17[%swap3A_213] {strides = array<i32>} : memref<1312xf32, #tpu.memory_space<vmem>>, vector<16xf32>,
      tpu.vector_store %arg17[%swap3A_213], %broadcast_in_dim3A_6 {strides = array<i32>} : memref<1312xf32, #tpu.memory_space<vmem>>, vector<16xf32>,
      %swap3A_215 = arith.constant 896 : index
      %swap3A_216 = tpu.vector_load %arg17[%swap3A_215] {strides = array<i32>} : memref<1312xf32, #tpu.memory_space<vmem>>, vector<16xf32>,
      tpu.vector_store %arg17[%swap3A_215], %broadcast_in_dim3A_6 {strides = array<i32>} : memref<1312xf32, #tpu.memory_space<vmem>>, vector<16xf32>,
      %swap3A_217 = arith.constant 912 : index
      %swap3A_218 = tpu.vector_load %arg17[%swap3A_217] {strides = array<i32>} : memref<1312xf32, #tpu.memory_space<vmem>>, vector<16xf32>,
      tpu.vector_store %arg17[%swap3A_217], %broadcast_in_dim3A_6 {strides = array<i32>} : memref<1312xf32, #tpu.memory_space<vmem>>, vector<16xf32>,
      %swap3A_219 = arith.constant 928 : index
      %swap3A_220 = tpu.vector_load %arg17[%swap3A_219] {strides = array<i32>} : memref<1312xf32, #tpu.memory_space<vmem>>, vector<16xf32>,
      tpu.vector_store %arg17[%swap3A_219], %broadcast_in_dim3A_6 {strides = array<i32>} : memref<1312xf32, #tpu.memory_space<vmem>>, vector<16xf32>,
      %swap3A_221 = arith.constant 944 : index
      %swap3A_222 = tpu.vector_load %arg17[%swap3A_221] {strides = array<i32>} : memref<1312xf32, #tpu.memory_space<vmem>>, vector<16xf32>,
      tpu.vector_store %arg17[%swap3A_221], %broadcast_in_dim3A_6 {strides = array<i32>} : memref<1312xf32, #tpu.memory_space<vmem>>, vector<16xf32>,
      %swap3A_223 = arith.constant 960 : index
      %swap3A_224 = tpu.vector_load %arg17[%swap3A_223] {strides = array<i32>} : memref<1312xf32, #tpu.memory_space<vmem>>, vector<16xf32>,
      tpu.vector_store %arg17[%swap3A_223], %broadcast_in_dim3A_6 {strides = array<i32>} : memref<1312xf32, #tpu.memory_space<vmem>>, vector<16xf32>,
      %swap3A_225 = arith.constant 976 : index
      %swap3A_226 = tpu.vector_load %arg17[%swap3A_225] {strides = array<i32>} : memref<1312xf32, #tpu.memory_space<vmem>>, vector<16xf32>,
      tpu.vector_store %arg17[%swap3A_225], %broadcast_in_dim3A_6 {strides = array<i32>} : memref<1312xf32, #tpu.memory_space<vmem>>, vector<16xf32>,
      %swap3A_227 = arith.constant 992 : index
      %swap3A_228 = tpu.vector_load %arg17[%swap3A_227] {strides = array<i32>} : memref<1312xf32, #tpu.memory_space<vmem>>, vector<16xf32>,
      tpu.vector_store %arg17[%swap3A_227], %broadcast_in_dim3A_6 {strides = array<i32>} : memref<1312xf32, #tpu.memory_space<vmem>>, vector<16xf32>,
      %swap3A_229 = arith.constant 1008 : index
      %swap3A_230 = tpu.vector_load %arg17[%swap3A_229] {strides = array<i32>} : memref<1312xf32, #tpu.memory_space<vmem>>, vector<16xf32>,
      tpu.vector_store %arg17[%swap3A_229], %broadcast_in_dim3A_6 {strides = array<i32>} : memref<1312xf32, #tpu.memory_space<vmem>>, vector<16xf32>,
      %swap3A_231 = arith.constant 1024 : index
      %swap3A_232 = tpu.vector_load %arg17[%swap3A_231] {strides = array<i32>} : memref<1312xf32, #tpu.memory_space<vmem>>, vector<16xf32>,
      tpu.vector_store %arg17[%swap3A_231], %broadcast_in_dim3A_6 {strides = array<i32>} : memref<1312xf32, #tpu.memory_space<vmem>>, vector<16xf32>,
      %swap3A_233 = arith.constant 1040 : index
      %swap3A_234 = tpu.vector_load %arg17[%swap3A_233] {strides = array<i32>} : memref<1312xf32, #tpu.memory_space<vmem>>, vector<16xf32>,
      tpu.vector_store %arg17[%swap3A_233], %broadcast_in_dim3A_6 {strides = array<i32>} : memref<1312xf32, #tpu.memory_space<vmem>>, vector<16xf32>,
      %swap3A_235 = arith.constant 1056 : index
      %swap3A_236 = tpu.vector_load %arg17[%swap3A_235] {strides = array<i32>} : memref<1312xf32, #tpu.memory_space<vmem>>, vector<16xf32>,
      tpu.vector_store %arg17[%swap3A_235], %broadcast_in_dim3A_6 {strides = array<i32>} : memref<1312xf32, #tpu.memory_space<vmem>>, vector<16xf32>,
      %swap3A_237 = arith.constant 1072 : index
      %swap3A_238 = tpu.vector_load %arg17[%swap3A_237] {strides = array<i32>} : memref<1312xf32, #tpu.memory_space<vmem>>, vector<16xf32>,
      tpu.vector_store %arg17[%swap3A_237], %broadcast_in_dim3A_6 {strides = array<i32>} : memref<1312xf32, #tpu.memory_space<vmem>>, vector<16xf32>,
      %swap3A_239 = arith.constant 1088 : index
      %swap3A_240 = tpu.vector_load %arg17[%swap3A_239] {strides = array<i32>} : memref<1312xf32, #tpu.memory_space<vmem>>, vector<16xf32>,
      tpu.vector_store %arg17[%swap3A_239], %broadcast_in_dim3A_6 {strides = array<i32>} : memref<1312xf32, #tpu.memory_space<vmem>>, vector<16xf32>,
      %swap3A_241 = arith.constant 1104 : index
      %swap3A_242 = tpu.vector_load %arg17[%swap3A_241] {strides = array<i32>} : memref<1312xf32, #tpu.memory_space<vmem>>, vector<16xf32>,
      tpu.vector_store %arg17[%swap3A_241], %broadcast_in_dim3A_6 {strides = array<i32>} : memref<1312xf32, #tpu.memory_space<vmem>>, vector<16xf32>,
      %swap3A_243 = arith.constant 1120 : index
      %swap3A_244 = tpu.vector_load %arg17[%swap3A_243] {strides = array<i32>} : memref<1312xf32, #tpu.memory_space<vmem>>, vector<16xf32>,
      tpu.vector_store %arg17[%swap3A_243], %broadcast_in_dim3A_6 {strides = array<i32>} : memref<1312xf32, #tpu.memory_space<vmem>>, vector<16xf32>,
      %swap3A_245 = arith.constant 1136 : index
      %swap3A_246 = tpu.vector_load %arg17[%swap3A_245] {strides = array<i32>} : memref<1312xf32, #tpu.memory_space<vmem>>, vector<16xf32>,
      tpu.vector_store %arg17[%swap3A_245], %broadcast_in_dim3A_6 {strides = array<i32>} : memref<1312xf32, #tpu.memory_space<vmem>>, vector<16xf32>,
      %swap3A_247 = arith.constant 1152 : index
      %swap3A_248 = tpu.vector_load %arg17[%swap3A_247] {strides = array<i32>} : memref<1312xf32, #tpu.memory_space<vmem>>, vector<16xf32>,
      tpu.vector_store %arg17[%swap3A_247], %broadcast_in_dim3A_6 {strides = array<i32>} : memref<1312xf32, #tpu.memory_space<vmem>>, vector<16xf32>,
      %swap3A_249 = arith.constant 1168 : index
      %swap3A_250 = tpu.vector_load %arg17[%swap3A_249] {strides = array<i32>} : memref<1312xf32, #tpu.memory_space<vmem>>, vector<16xf32>,
      tpu.vector_store %arg17[%swap3A_249], %broadcast_in_dim3A_6 {strides = array<i32>} : memref<1312xf32, #tpu.memory_space<vmem>>, vector<16xf32>,
      %swap3A_251 = arith.constant 1184 : index
      %swap3A_252 = tpu.vector_load %arg17[%swap3A_251] {strides = array<i32>} : memref<1312xf32, #tpu.memory_space<vmem>>, vector<16xf32>,
      tpu.vector_store %arg17[%swap3A_251], %broadcast_in_dim3A_6 {strides = array<i32>} : memref<1312xf32, #tpu.memory_space<vmem>>, vector<16xf32>,
      %swap3A_253 = arith.constant 1200 : index
      %swap3A_254 = tpu.vector_load %arg17[%swap3A_253] {strides = array<i32>} : memref<1312xf32, #tpu.memory_space<vmem>>, vector<16xf32>,
      tpu.vector_store %arg17[%swap3A_253], %broadcast_in_dim3A_6 {strides = array<i32>} : memref<1312xf32, #tpu.memory_space<vmem>>, vector<16xf32>,
      %swap3A_255 = arith.constant 1216 : index
      %swap3A_256 = tpu.vector_load %arg17[%swap3A_255] {strides = array<i32>} : memref<1312xf32, #tpu.memory_space<vmem>>, vector<16xf32>,
      tpu.vector_store %arg17[%swap3A_255], %broadcast_in_dim3A_6 {strides = array<i32>} : memref<1312xf32, #tpu.memory_space<vmem>>, vector<16xf32>,
      %swap3A_257 = arith.constant 1232 : index
      %swap3A_258 = tpu.vector_load %arg17[%swap3A_257] {strides = array<i32>} : memref<1312xf32, #tpu.memory_space<vmem>>, vector<16xf32>,
      tpu.vector_store %arg17[%swap3A_257], %broadcast_in_dim3A_6 {strides = array<i32>} : memref<1312xf32, #tpu.memory_space<vmem>>, vector<16xf32>,
      %swap3A_259 = arith.constant 1248 : index
      %swap3A_260 = tpu.vector_load %arg17[%swap3A_259] {strides = array<i32>} : memref<1312xf32, #tpu.memory_space<vmem>>, vector<16xf32>,
      tpu.vector_store %arg17[%swap3A_259], %broadcast_in_dim3A_6 {strides = array<i32>} : memref<1312xf32, #tpu.memory_space<vmem>>, vector<16xf32>,
      %swap3A_261 = arith.constant 1264 : index
      %swap3A_262 = tpu.vector_load %arg17[%swap3A_261] {strides = array<i32>} : memref<1312xf32, #tpu.memory_space<vmem>>, vector<16xf32>,
      tpu.vector_store %arg17[%swap3A_261], %broadcast_in_dim3A_6 {strides = array<i32>} : memref<1312xf32, #tpu.memory_space<vmem>>, vector<16xf32>,
      %swap3A_263 = arith.constant 1280 : index
      %swap3A_264 = tpu.vector_load %arg17[%swap3A_263] {strides = array<i32>} : memref<1312xf32, #tpu.memory_space<vmem>>, vector<16xf32>,
      tpu.vector_store %arg17[%swap3A_263], %broadcast_in_dim3A_6 {strides = array<i32>} : memref<1312xf32, #tpu.memory_space<vmem>>, vector<16xf32>,
      %swap3A_265 = arith.constant 1296 : index
      %swap3A_266 = tpu.vector_load %arg17[%swap3A_265] {strides = array<i32>} : memref<1312xf32, #tpu.memory_space<vmem>>, vector<16xf32>,
      tpu.vector_store %arg17[%swap3A_265], %broadcast_in_dim3A_6 {strides = array<i32>} : memref<1312xf32, #tpu.memory_space<vmem>>, vector<16xf32>,
      %while3A = arith.constant 0 : i32
      %while3A_267 = arith.constant 0 : i32
      %while3A_268 = arith.subi %select_n3A, %while3A : i32
      %while3A_269 = arith.addi %while3A, %while3A_268 : i32
      %while3A_270 = arith.constant 1 : i32
      %while3A_271 = arith.divsi %while3A_268, %while3A_270 : i32
      %while3A_272 = arith.muli %while3A_271, %while3A_270 : i32
      %while3A_273 = arith.addi %while3A, %while3A_272 : i32
      %while3A_274 = arith.constant 1 : i32
      %while3A_275 = scf.for %while3A_309 = %while3A to %while3A_273 step %while3A_274 iter_args(%while3A_310 = %while3A_267) -> (i32)  : i32 {
        %mul3A = arith.constant 16 : i32
        %mul3A_311 = arith.muli %while3A_309, %mul3A : i32
        %get3A = arith.index_cast %mul3A_311 : i32 to index
        %get3A_312 = tpu.vector_load %arg5[%get3A] {strides = array<i32>} : memref<20752xf32, #tpu.memory_space<vmem>>, vector<16xf32>,
        %reduce_max3A = arith.constant true
        %reduce_max3A_313 = vector.broadcast %reduce_max3A : i1 to vector<16xi1>
        %reduce_max3A_314 = tpu.scan <max>, %get3A_312 masked %reduce_max3A_313 : vector<16xf32>, vector<16xi1> -> vector<16xf32>
        %reduce_max3A_315 = vector.extract %reduce_max3A_314[15] : f32 from vector<16xf32>
        %broadcast_in_dim3A_316 = arith.constant 0.000000e+00 : f32
        %broadcast_in_dim3A_317 = vector.broadcast %broadcast_in_dim3A_316 : f32 to vector<16xf32>
        %add3A_318 = vector.broadcast %reduce_max3A_315 : f32 to vector<16xf32>
        %add3A_319 = arith.addf %broadcast_in_dim3A_317, %add3A_318 : vector<16xf32>
        %swap3A_320 = arith.index_cast %while3A_309 : i32 to index
        %swap3A_321 = tpu.vector_load %arg17[%swap3A_320] masked %eq3A_11 {strides = array<i32>} : memref<1312xf32, #tpu.memory_space<vmem>>, vector<16xf32>, vector<16xi1>
        tpu.vector_store %arg17[%swap3A_320], %add3A_319 masked %eq3A_11 {strides = array<i32>} : memref<1312xf32, #tpu.memory_space<vmem>>, vector<16xf32>, vector<16xi1>
        %while3A_322 = arith.constant 0 : i32
        scf.yield %while3A_322 : i32
      }
      %while3A_276 = arith.constant 1 : i32
      %while3A_277 = scf.for %while3A_309 = %while3A_273 to %while3A_269 step %while3A_276 iter_args(%while3A_310 = %while3A_275) -> (i32)  : i32 {
        %mul3A = arith.constant 16 : i32
        %mul3A_311 = arith.muli %while3A_309, %mul3A : i32
        %get3A = arith.index_cast %mul3A_311 : i32 to index
        %get3A_312 = tpu.vector_load %arg5[%get3A] {strides = array<i32>} : memref<20752xf32, #tpu.memory_space<vmem>>, vector<16xf32>,
        %reduce_max3A = arith.constant true
        %reduce_max3A_313 = vector.broadcast %reduce_max3A : i1 to vector<16xi1>
        %reduce_max3A_314 = tpu.scan <max>, %get3A_312 masked %reduce_max3A_313 : vector<16xf32>, vector<16xi1> -> vector<16xf32>
        %reduce_max3A_315 = vector.extract %reduce_max3A_314[15] : f32 from vector<16xf32>
        %broadcast_in_dim3A_316 = arith.constant 0.000000e+00 : f32
        %broadcast_in_dim3A_317 = vector.broadcast %broadcast_in_dim3A_316 : f32 to vector<16xf32>
        %add3A_318 = vector.broadcast %reduce_max3A_315 : f32 to vector<16xf32>
        %add3A_319 = arith.addf %broadcast_in_dim3A_317, %add3A_318 : vector<16xf32>
        %swap3A_320 = arith.index_cast %while3A_309 : i32 to index
        %swap3A_321 = tpu.vector_load %arg17[%swap3A_320] masked %eq3A_11 {strides = array<i32>} : memref<1312xf32, #tpu.memory_space<vmem>>, vector<16xf32>, vector<16xi1>
        tpu.vector_store %arg17[%swap3A_320], %add3A_319 masked %eq3A_11 {strides = array<i32>} : memref<1312xf32, #tpu.memory_space<vmem>>, vector<16xf32>, vector<16xi1>
        %while3A_322 = arith.constant 0 : i32
        scf.yield %while3A_322 : i32
      }
      %add3A_278 = arith.constant 16 : i32
      %add3A_279 = arith.addi %select_n3A, %add3A_278 : i32
      %sub3A_280 = arith.constant 1 : i32
      %sub3A_281 = arith.subi %add3A_279, %sub3A_280 : i32
      %jit3A_282 = arith.constant 16 : i32
      %div3A_283 = arith.divsi %sub3A_281, %jit3A_282 : i32
      %sign3A_284 = arith.constant 0 : i32
      %sign3A_285 = arith.cmpi sgt, %sub3A_281, %sign3A_284 : i32
      %sign3A_286 = arith.extui %sign3A_285 : i1 to i32
      %sign3A_287 = arith.constant 0 : i32
      %sign3A_288 = arith.cmpi slt, %sub3A_281, %sign3A_287 : i32
      %sign3A_289 = arith.extui %sign3A_288 : i1 to i32
      %sign3A_290 = arith.subi %sign3A_286, %sign3A_289 : i32
      %sign3A_291 = arith.constant 0 : i32
      %sign3A_292 = arith.cmpi sgt, %jit3A_282, %sign3A_291 : i32
      %sign3A_293 = arith.extui %sign3A_292 : i1 to i32
      %sign3A_294 = arith.constant 0 : i32
      %sign3A_295 = arith.cmpi slt, %jit3A_282, %sign3A_294 : i32
      %sign3A_296 = arith.extui %sign3A_295 : i1 to i32
      %sign3A_297 = arith.subi %sign3A_293, %sign3A_296 : i32
      %ne3A_298 = arith.cmpi ne, %sign3A_290, %sign3A_297 : i32
      %rem3A_299 = arith.remsi %sub3A_281, %jit3A_282 : i32
      %ne3A_300 = arith.constant 0 : i32
      %ne3A_301 = arith.cmpi ne, %rem3A_299, %ne3A_300 : i32
      %and3A_302 = arith.andi %ne3A_298, %ne3A_301 : i1
      %sub3A_303 = arith.constant 1 : i32
      %sub3A_304 = arith.subi %div3A_283, %sub3A_303 : i32
      %select_n3A_305 = arith.select %and3A_302, %sub3A_304, %div3A_283 : i32
      %gt3A = arith.constant 0 : i32
      %gt3A_306 = arith.cmpi sgt, %scan3A_79, %gt3A : i32
      %while3A_307 = arith.constant 0 : i32
      %while3A_308:2 = scf.while (%while3A_309 = %while3A_307, %while3A_310 = %gt3A_306) : (i32, i1) -> (i32, i1) {
        scf.condition(%while3A_310) %while3A_309, %while3A_310 : i32, i1
      } do {
      ^bb0(%while3A_309: i32, %while3A_310: i1):
        %broadcast_in_dim3A_311 = arith.constant 0 : i32
        %broadcast_in_dim3A_312 = vector.broadcast %broadcast_in_dim3A_311 : i32 to vector<16xi32>
        %while3A_313 = arith.constant 0 : i32
        %while3A_314 = arith.subi %select_n3A_305, %while3A_313 : i32
        %while3A_315 = arith.addi %while3A_313, %while3A_314 : i32
        %while3A_316 = arith.constant 1 : i32
        %while3A_317 = arith.divsi %while3A_314, %while3A_316 : i32
        %while3A_318 = arith.muli %while3A_317, %while3A_316 : i32
        %while3A_319 = arith.addi %while3A_313, %while3A_318 : i32
        %while3A_320 = arith.constant 1 : i32
        %while3A_321:2 = scf.for %while3A_433 = %while3A_313 to %while3A_319 step %while3A_320 iter_args(%while3A_434 = %broadcast_in_dim3A_6, %while3A_435 = %broadcast_in_dim3A_312) -> (vector<16xf32>, vector<16xi32>)  : i32 {
          %mul3A_436 = arith.constant 16 : i32
          %mul3A_437 = arith.muli %while3A_433, %mul3A_436 : i32
          %get3A = arith.index_cast %mul3A_437 : i32 to index
          %get3A_438 = tpu.vector_load %arg17[%get3A] {strides = array<i32>} : memref<1312xf32, #tpu.memory_space<vmem>>, vector<16xf32>,
          %gt3A_439 = arith.cmpf ogt, %get3A_438, %while3A_434 : vector<16xf32>
          %select_n3A_440 = arith.select %gt3A_439, %get3A_438, %while3A_434 : vector<16xi1>, vector<16xf32>
          %mul3A_441 = arith.constant 16 : i32
          %mul3A_442 = arith.muli %while3A_433, %mul3A_441 : i32
          %add3A_443 = vector.broadcast %mul3A_442 : i32 to vector<16xi32>
          %add3A_444 = arith.addi %iota3A, %add3A_443 : vector<16xi32>
          %select_n3A_445 = arith.select %gt3A_439, %add3A_444, %while3A_435 : vector<16xi1>, vector<16xi32>
          scf.yield %select_n3A_440, %select_n3A_445 : vector<16xf32>, vector<16xi32>
        }
        %while3A_322 = arith.constant 1 : i32
        %while3A_323:2 = scf.for %while3A_433 = %while3A_319 to %while3A_315 step %while3A_322 iter_args(%while3A_434 = %while3A_321#0, %while3A_435 = %while3A_321#1) -> (vector<16xf32>, vector<16xi32>)  : i32 {
          %mul3A_436 = arith.constant 16 : i32
          %mul3A_437 = arith.muli %while3A_433, %mul3A_436 : i32
          %get3A = arith.index_cast %mul3A_437 : i32 to index
          %get3A_438 = tpu.vector_load %arg17[%get3A] {strides = array<i32>} : memref<1312xf32, #tpu.memory_space<vmem>>, vector<16xf32>,
          %gt3A_439 = arith.cmpf ogt, %get3A_438, %while3A_434 : vector<16xf32>
          %select_n3A_440 = arith.select %gt3A_439, %get3A_438, %while3A_434 : vector<16xi1>, vector<16xf32>
          %mul3A_441 = arith.constant 16 : i32
          %mul3A_442 = arith.muli %while3A_433, %mul3A_441 : i32
          %add3A_443 = vector.broadcast %mul3A_442 : i32 to vector<16xi32>
          %add3A_444 = arith.addi %iota3A, %add3A_443 : vector<16xi32>
          %select_n3A_445 = arith.select %gt3A_439, %add3A_444, %while3A_435 : vector<16xi1>, vector<16xi32>
          scf.yield %select_n3A_440, %select_n3A_445 : vector<16xf32>, vector<16xi32>
        }
        %reduce_max3A = arith.constant true
        %reduce_max3A_324 = vector.broadcast %reduce_max3A : i1 to vector<16xi1>
        %reduce_max3A_325 = tpu.scan <max>, %while3A_323#0 masked %reduce_max3A_324 : vector<16xf32>, vector<16xi1> -> vector<16xf32>
        %reduce_max3A_326 = vector.extract %reduce_max3A_325[15] : f32 from vector<16xf32>
        %gt3A_327 = arith.constant 0xFF800000 : f32
        %gt3A_328 = arith.cmpf ogt, %reduce_max3A_326, %gt3A_327 : f32
        %eq3A_329 = vector.broadcast %reduce_max3A_326 : f32 to vector<16xf32>
        %eq3A_330 = arith.cmpf oeq, %while3A_323#0, %eq3A_329 : vector<16xf32>
        %jit3A_331 = arith.constant 1296 : i32
        %broadcast_in_dim3A_332 = vector.broadcast %jit3A_331 : i32 to vector<16xi32>
        %select_n3A_333 = arith.select %eq3A_330, %while3A_323#1, %broadcast_in_dim3A_332 : vector<16xi1>, vector<16xi32>
        %reduce_min3A = arith.constant true
        %reduce_min3A_334 = vector.broadcast %reduce_min3A : i1 to vector<16xi1>
        %reduce_min3A_335 = arith.constant -2147483648 : i32
        %reduce_min3A_336 = vector.broadcast %reduce_min3A_335 : i32 to vector<16xi32>
        %reduce_min3A_337 = arith.xori %select_n3A_333, %reduce_min3A_336 : vector<16xi32>
        %reduce_min3A_338 = tpu.scan <min>, %reduce_min3A_337 masked %reduce_min3A_334 : vector<16xi32>, vector<16xi1> -> vector<16xi32>
        %reduce_min3A_339 = arith.xori %reduce_min3A_338, %reduce_min3A_336 : vector<16xi32>
        %reduce_min3A_340 = vector.extract %reduce_min3A_339[15] : i32 from vector<16xi32>
        %add3A_341 = arith.constant 1 : i32
        %add3A_342 = arith.addi %reduce_min3A_340, %add3A_341 : i32
        %while3A_343 = arith.constant 0 : i32
        %while3A_344 = arith.subi %add3A_342, %reduce_min3A_340 : i32
        %while3A_345 = arith.addi %reduce_min3A_340, %while3A_344 : i32
        %while3A_346 = arith.constant 1 : i32
        %while3A_347 = arith.divsi %while3A_344, %while3A_346 : i32
        %while3A_348 = arith.muli %while3A_347, %while3A_346 : i32
        %while3A_349 = arith.addi %reduce_min3A_340, %while3A_348 : i32
        %while3A_350 = arith.constant 1 : i32
        %while3A_351:2 = scf.for %while3A_433 = %reduce_min3A_340 to %while3A_349 step %while3A_350 iter_args(%while3A_434 = %while3A_343, %while3A_435 = %broadcast_in_dim3A_6) -> (i32, vector<16xf32>)  : i32 {
          %mul3A_436 = arith.constant 16 : i32
          %mul3A_437 = arith.muli %while3A_433, %mul3A_436 : i32
          %get3A = arith.index_cast %mul3A_437 : i32 to index
          %get3A_438 = tpu.vector_load %arg5[%get3A] {strides = array<i32>} : memref<20752xf32, #tpu.memory_space<vmem>>, vector<16xf32>,
          %eq3A_439 = vector.broadcast %reduce_max3A_326 : f32 to vector<16xf32>
          %eq3A_440 = arith.cmpf oeq, %get3A_438, %eq3A_439 : vector<16xf32>
          %all_reduce_ffs3A = tpu.all_reduce %eq3A_440 {dim = 0 : i64, kind = #tpu.reduction_kind<find_first_set>} : vector<16xi1> -> vector<16xi32>
          %slice3A = vector.extract_strided_slice %all_reduce_ffs3A {offsets = [0], sizes = [1], strides = [1]} : vector<16xi32> to vector<1xi32>
          %squeeze3A = vector.extract %slice3A[0] : i32 from vector<1xi32>
          scf.yield %squeeze3A, %get3A_438 : i32, vector<16xf32>
        }
        %while3A_352 = arith.constant 1 : i32
        %while3A_353:2 = scf.for %while3A_433 = %while3A_349 to %while3A_345 step %while3A_352 iter_args(%while3A_434 = %while3A_351#0, %while3A_435 = %while3A_351#1) -> (i32, vector<16xf32>)  : i32 {
          %mul3A_436 = arith.constant 16 : i32
          %mul3A_437 = arith.muli %while3A_433, %mul3A_436 : i32
          %get3A = arith.index_cast %mul3A_437 : i32 to index
          %get3A_438 = tpu.vector_load %arg5[%get3A] {strides = array<i32>} : memref<20752xf32, #tpu.memory_space<vmem>>, vector<16xf32>,
          %eq3A_439 = vector.broadcast %reduce_max3A_326 : f32 to vector<16xf32>
          %eq3A_440 = arith.cmpf oeq, %get3A_438, %eq3A_439 : vector<16xf32>
          %all_reduce_ffs3A = tpu.all_reduce %eq3A_440 {dim = 0 : i64, kind = #tpu.reduction_kind<find_first_set>} : vector<16xi1> -> vector<16xi32>
          %slice3A = vector.extract_strided_slice %all_reduce_ffs3A {offsets = [0], sizes = [1], strides = [1]} : vector<16xi32> to vector<1xi32>
          %squeeze3A = vector.extract %slice3A[0] : i32 from vector<1xi32>
          scf.yield %squeeze3A, %get3A_438 : i32, vector<16xf32>
        }
        %mul3A = arith.constant 16 : i32
        %mul3A_354 = arith.muli %reduce_min3A_340, %mul3A : i32
        %add3A_355 = arith.addi %mul3A_354, %while3A_353#0 : i32
        %broadcast_in_dim3A_356 = arith.constant 0 : i32
        %broadcast_in_dim3A_357 = vector.broadcast %broadcast_in_dim3A_356 : i32 to vector<16xi32>
        %add3A_358 = vector.broadcast %add3A_355 : i32 to vector<16xi32>
        %add3A_359 = arith.addi %broadcast_in_dim3A_357, %add3A_358 : vector<16xi32>
        %gather3A = tpu.vector_load_idx %arg6[%add3A_359] : memref<20752xi32, #tpu.memory_space<vmem>>[vector<16xi32>], vector<16xi32>,
        %gather3A_360 = tpu.vector_load_idx %arg7[%gather3A] : memref<20752xf32, #tpu.memory_space<vmem>>[vector<16xi32>], vector<16xf32>,
        %gather3A_361 = tpu.vector_load_idx %arg8[%gather3A] : memref<20752xf32, #tpu.memory_space<vmem>>[vector<16xi32>], vector<16xf32>,
        %gather3A_362 = tpu.vector_load_idx %arg9[%gather3A] : memref<20752xf32, #tpu.memory_space<vmem>>[vector<16xi32>], vector<16xf32>,
        %gather3A_363 = tpu.vector_load_idx %arg10[%gather3A] : memref<20752xf32, #tpu.memory_space<vmem>>[vector<16xi32>], vector<16xf32>,
        %min3A = arith.minimumf %gather3A_362, %gather3A_360 : vector<16xf32>
        %max3A = arith.maximumf %gather3A_362, %gather3A_360 : vector<16xf32>
        %min3A_364 = arith.minimumf %gather3A_361, %gather3A_363 : vector<16xf32>
        %max3A_365 = arith.maximumf %gather3A_361, %gather3A_363 : vector<16xf32>
        %sub3A_366 = arith.subf %max3A, %min3A : vector<16xf32>
        %sub3A_367 = arith.subf %max3A_365, %min3A_364 : vector<16xf32>
        %mul3A_368 = arith.mulf %sub3A_366, %sub3A_367 : vector<16xf32>
        %add3A_369 = arith.constant 16 : i32
        %add3A_370 = arith.addi %while3A_309, %add3A_369 : i32
        %sub3A_371 = arith.constant 1 : i32
        %sub3A_372 = arith.subi %add3A_370, %sub3A_371 : i32
        %jit3A_373 = arith.constant 16 : i32
        %div3A_374 = arith.divsi %sub3A_372, %jit3A_373 : i32
        %sign3A_375 = arith.constant 0 : i32
        %sign3A_376 = arith.cmpi sgt, %sub3A_372, %sign3A_375 : i32
        %sign3A_377 = arith.extui %sign3A_376 : i1 to i32
        %sign3A_378 = arith.constant 0 : i32
        %sign3A_379 = arith.cmpi slt, %sub3A_372, %sign3A_378 : i32
        %sign3A_380 = arith.extui %sign3A_379 : i1 to i32
        %sign3A_381 = arith.subi %sign3A_377, %sign3A_380 : i32
        %sign3A_382 = arith.constant 0 : i32
        %sign3A_383 = arith.cmpi sgt, %jit3A_373, %sign3A_382 : i32
        %sign3A_384 = arith.extui %sign3A_383 : i1 to i32
        %sign3A_385 = arith.constant 0 : i32
        %sign3A_386 = arith.cmpi slt, %jit3A_373, %sign3A_385 : i32
        %sign3A_387 = arith.extui %sign3A_386 : i1 to i32
        %sign3A_388 = arith.subi %sign3A_384, %sign3A_387 : i32
        %ne3A_389 = arith.cmpi ne, %sign3A_381, %sign3A_388 : i32
        %rem3A_390 = arith.remsi %sub3A_372, %jit3A_373 : i32
        %ne3A_391 = arith.constant 0 : i32
        %ne3A_392 = arith.cmpi ne, %rem3A_390, %ne3A_391 : i32
        %and3A_393 = arith.andi %ne3A_389, %ne3A_392 : i1
        %sub3A_394 = arith.constant 1 : i32
        %sub3A_395 = arith.subi %div3A_374, %sub3A_394 : i32
        %select_n3A_396 = arith.select %and3A_393, %sub3A_395, %div3A_374 : i32
        %broadcast_in_dim3A_397 = arith.constant false
        %broadcast_in_dim3A_398 = vector.broadcast %broadcast_in_dim3A_397 : i1 to vector<16xi1>
        %while3A_399 = arith.constant 0 : i32
        %while3A_400 = arith.subi %select_n3A_396, %while3A_399 : i32
        %while3A_401 = arith.addi %while3A_399, %while3A_400 : i32
        %while3A_402 = arith.constant 1 : i32
        %while3A_403 = arith.divsi %while3A_400, %while3A_402 : i32
        %while3A_404 = arith.muli %while3A_403, %while3A_402 : i32
        %while3A_405 = arith.addi %while3A_399, %while3A_404 : i32
        %while3A_406 = arith.constant 1 : i32
        %while3A_407 = scf.for %while3A_433 = %while3A_399 to %while3A_405 step %while3A_406 iter_args(%while3A_434 = %broadcast_in_dim3A_398) -> (vector<16xi1>)  : i32 {
          %mul3A_435 = arith.constant 16 : i32
          %mul3A_436 = arith.muli %while3A_433, %mul3A_435 : i32
          %get3A = arith.index_cast %mul3A_436 : i32 to index
          %get3A_437 = tpu.vector_load %arg11[%get3A] {strides = array<i32>} : memref<128xf32, #tpu.memory_space<vmem>>, vector<16xf32>,
          %max3A_438 = arith.maximumf %get3A_437, %min3A : vector<16xf32>
          %mul3A_439 = arith.constant 16 : i32
          %mul3A_440 = arith.muli %while3A_433, %mul3A_439 : i32
          %get3A_441 = arith.index_cast %mul3A_440 : i32 to index
          %get3A_442 = tpu.vector_load %arg12[%get3A_441] {strides = array<i32>} : memref<128xf32, #tpu.memory_space<vmem>>, vector<16xf32>,
          %min3A_443 = arith.minimumf %get3A_442, %max3A : vector<16xf32>
          %mul3A_444 = arith.constant 16 : i32
          %mul3A_445 = arith.muli %while3A_433, %mul3A_444 : i32
          %get3A_446 = arith.index_cast %mul3A_445 : i32 to index
          %get3A_447 = tpu.vector_load %arg13[%get3A_446] {strides = array<i32>} : memref<128xf32, #tpu.memory_space<vmem>>, vector<16xf32>,
          %max3A_448 = arith.maximumf %get3A_447, %min3A_364 : vector<16xf32>
          %mul3A_449 = arith.constant 16 : i32
          %mul3A_450 = arith.muli %while3A_433, %mul3A_449 : i32
          %get3A_451 = arith.index_cast %mul3A_450 : i32 to index
          %get3A_452 = tpu.vector_load %arg14[%get3A_451] {strides = array<i32>} : memref<128xf32, #tpu.memory_space<vmem>>, vector<16xf32>,
          %min3A_453 = arith.minimumf %get3A_452, %max3A_365 : vector<16xf32>
          %sub3A_454 = arith.subf %min3A_443, %max3A_438 : vector<16xf32>
          %max3A_455 = arith.constant 0.000000e+00 : f32
          %max3A_456 = vector.broadcast %max3A_455 : f32 to vector<16xf32>
          %max3A_457 = arith.maximumf %sub3A_454, %max3A_456 : vector<16xf32>
          %sub3A_458 = arith.subf %min3A_453, %max3A_448 : vector<16xf32>
          %max3A_459 = arith.constant 0.000000e+00 : f32
          %max3A_460 = vector.broadcast %max3A_459 : f32 to vector<16xf32>
          %max3A_461 = arith.maximumf %sub3A_458, %max3A_460 : vector<16xf32>
          %mul3A_462 = arith.mulf %max3A_457, %max3A_461 : vector<16xf32>
          %mul3A_463 = arith.constant 16 : i32
          %mul3A_464 = arith.muli %while3A_433, %mul3A_463 : i32
          %get3A_465 = arith.index_cast %mul3A_464 : i32 to index
          %get3A_466 = tpu.vector_load %arg15[%get3A_465] {strides = array<i32>} : memref<128xf32, #tpu.memory_space<vmem>>, vector<16xf32>,
          %add3A_467 = arith.addf %get3A_466, %mul3A_368 : vector<16xf32>
          %sub3A_468 = arith.subf %add3A_467, %mul3A_462 : vector<16xf32>
          %add3A_469 = arith.constant 9.99999993E-9 : f32
          %add3A_470 = vector.broadcast %add3A_469 : f32 to vector<16xf32>
          %add3A_471 = arith.addf %sub3A_468, %add3A_470 : vector<16xf32>
          %div3A_472 = arith.divf %mul3A_462, %add3A_471 : vector<16xf32>
          %mul3A_473 = arith.constant 16 : i32
          %mul3A_474 = arith.muli %while3A_433, %mul3A_473 : i32
          %add3A_475 = vector.broadcast %mul3A_474 : i32 to vector<16xi32>
          %add3A_476 = arith.addi %iota3A, %add3A_475 : vector<16xi32>
          %lt3A_477 = vector.broadcast %while3A_309 : i32 to vector<16xi32>
          %lt3A_478 = arith.cmpi slt, %add3A_476, %lt3A_477 : vector<16xi32>
          %gt3A_479 = arith.constant 0.899999976 : f32
          %gt3A_480 = vector.broadcast %gt3A_479 : f32 to vector<16xf32>
          %gt3A_481 = arith.cmpf ogt, %div3A_472, %gt3A_480 : vector<16xf32>
          %and3A_482 = arith.andi %gt3A_481, %lt3A_478 : vector<16xi1>
          %or3A = arith.ori %while3A_434, %and3A_482 : vector<16xi1>
          scf.yield %or3A : vector<16xi1>
        }
        %while3A_408 = arith.constant 1 : i32
        %while3A_409 = scf.for %while3A_433 = %while3A_405 to %while3A_401 step %while3A_408 iter_args(%while3A_434 = %while3A_407) -> (vector<16xi1>)  : i32 {
          %mul3A_435 = arith.constant 16 : i32
          %mul3A_436 = arith.muli %while3A_433, %mul3A_435 : i32
          %get3A = arith.index_cast %mul3A_436 : i32 to index
          %get3A_437 = tpu.vector_load %arg11[%get3A] {strides = array<i32>} : memref<128xf32, #tpu.memory_space<vmem>>, vector<16xf32>,
          %max3A_438 = arith.maximumf %get3A_437, %min3A : vector<16xf32>
          %mul3A_439 = arith.constant 16 : i32
          %mul3A_440 = arith.muli %while3A_433, %mul3A_439 : i32
          %get3A_441 = arith.index_cast %mul3A_440 : i32 to index
          %get3A_442 = tpu.vector_load %arg12[%get3A_441] {strides = array<i32>} : memref<128xf32, #tpu.memory_space<vmem>>, vector<16xf32>,
          %min3A_443 = arith.minimumf %get3A_442, %max3A : vector<16xf32>
          %mul3A_444 = arith.constant 16 : i32
          %mul3A_445 = arith.muli %while3A_433, %mul3A_444 : i32
          %get3A_446 = arith.index_cast %mul3A_445 : i32 to index
          %get3A_447 = tpu.vector_load %arg13[%get3A_446] {strides = array<i32>} : memref<128xf32, #tpu.memory_space<vmem>>, vector<16xf32>,
          %max3A_448 = arith.maximumf %get3A_447, %min3A_364 : vector<16xf32>
          %mul3A_449 = arith.constant 16 : i32
          %mul3A_450 = arith.muli %while3A_433, %mul3A_449 : i32
          %get3A_451 = arith.index_cast %mul3A_450 : i32 to index
          %get3A_452 = tpu.vector_load %arg14[%get3A_451] {strides = array<i32>} : memref<128xf32, #tpu.memory_space<vmem>>, vector<16xf32>,
          %min3A_453 = arith.minimumf %get3A_452, %max3A_365 : vector<16xf32>
          %sub3A_454 = arith.subf %min3A_443, %max3A_438 : vector<16xf32>
          %max3A_455 = arith.constant 0.000000e+00 : f32
          %max3A_456 = vector.broadcast %max3A_455 : f32 to vector<16xf32>
          %max3A_457 = arith.maximumf %sub3A_454, %max3A_456 : vector<16xf32>
          %sub3A_458 = arith.subf %min3A_453, %max3A_448 : vector<16xf32>
          %max3A_459 = arith.constant 0.000000e+00 : f32
          %max3A_460 = vector.broadcast %max3A_459 : f32 to vector<16xf32>
          %max3A_461 = arith.maximumf %sub3A_458, %max3A_460 : vector<16xf32>
          %mul3A_462 = arith.mulf %max3A_457, %max3A_461 : vector<16xf32>
          %mul3A_463 = arith.constant 16 : i32
          %mul3A_464 = arith.muli %while3A_433, %mul3A_463 : i32
          %get3A_465 = arith.index_cast %mul3A_464 : i32 to index
          %get3A_466 = tpu.vector_load %arg15[%get3A_465] {strides = array<i32>} : memref<128xf32, #tpu.memory_space<vmem>>, vector<16xf32>,
          %add3A_467 = arith.addf %get3A_466, %mul3A_368 : vector<16xf32>
          %sub3A_468 = arith.subf %add3A_467, %mul3A_462 : vector<16xf32>
          %add3A_469 = arith.constant 9.99999993E-9 : f32
          %add3A_470 = vector.broadcast %add3A_469 : f32 to vector<16xf32>
          %add3A_471 = arith.addf %sub3A_468, %add3A_470 : vector<16xf32>
          %div3A_472 = arith.divf %mul3A_462, %add3A_471 : vector<16xf32>
          %mul3A_473 = arith.constant 16 : i32
          %mul3A_474 = arith.muli %while3A_433, %mul3A_473 : i32
          %add3A_475 = vector.broadcast %mul3A_474 : i32 to vector<16xi32>
          %add3A_476 = arith.addi %iota3A, %add3A_475 : vector<16xi32>
          %lt3A_477 = vector.broadcast %while3A_309 : i32 to vector<16xi32>
          %lt3A_478 = arith.cmpi slt, %add3A_476, %lt3A_477 : vector<16xi32>
          %gt3A_479 = arith.constant 0.899999976 : f32
          %gt3A_480 = vector.broadcast %gt3A_479 : f32 to vector<16xf32>
          %gt3A_481 = arith.cmpf ogt, %div3A_472, %gt3A_480 : vector<16xf32>
          %and3A_482 = arith.andi %gt3A_481, %lt3A_478 : vector<16xi1>
          %or3A = arith.ori %while3A_434, %and3A_482 : vector<16xi1>
          scf.yield %or3A : vector<16xi1>
        }
        %reduce_or3A = arith.constant 1.000000e+00 : f32
        %reduce_or3A_410 = arith.constant 0.000000e+00 : f32
        %reduce_or3A_411 = vector.broadcast %reduce_or3A : f32 to vector<16xf32>
        %reduce_or3A_412 = vector.broadcast %reduce_or3A_410 : f32 to vector<16xf32>
        %reduce_or3A_413 = arith.select %while3A_409, %reduce_or3A_411, %reduce_or3A_412 : vector<16xi1>, vector<16xf32>
        %reduce_or3A_414 = arith.constant true
        %reduce_or3A_415 = vector.broadcast %reduce_or3A_414 : i1 to vector<16xi1>
        %reduce_or3A_416 = tpu.scan <max>, %reduce_or3A_413 masked %reduce_or3A_415 : vector<16xf32>, vector<16xi1> -> vector<16xf32>
        %reduce_or3A_417 = vector.extract %reduce_or3A_416[15] : f32 from vector<16xf32>
        %reduce_or3A_418 = arith.constant 0.000000e+00 : f32
        %reduce_or3A_419 = arith.cmpf ogt, %reduce_or3A_417, %reduce_or3A_418 : f32
        %not3A = arith.constant true
        %not3A_420 = arith.xori %reduce_or3A_419, %not3A : i1
        %and3A_421 = arith.andi %gt3A_328, %not3A_420 : i1
        %convert_element_type3A_422 = arith.extui %and3A_421 : i1 to i32
        %cond3A_423 = arith.constant 0 : i32
        %cond3A_424 = arith.cmpi ne, %convert_element_type3A_422, %cond3A_423 : i32
        scf.if %cond3A_424 {
          %swap3A_433 = arith.index_cast %while3A_309 : i32 to index
          %swap3A_434 = tpu.vector_load %arg11[%swap3A_433] masked %eq3A_11 {strides = array<i32>} : memref<128xf32, #tpu.memory_space<vmem>>, vector<16xf32>, vector<16xi1>
          tpu.vector_store %arg11[%swap3A_433], %min3A masked %eq3A_11 {strides = array<i32>} : memref<128xf32, #tpu.memory_space<vmem>>, vector<16xf32>, vector<16xi1>
          %swap3A_435 = arith.index_cast %while3A_309 : i32 to index
          %swap3A_436 = tpu.vector_load %arg12[%swap3A_435] masked %eq3A_11 {strides = array<i32>} : memref<128xf32, #tpu.memory_space<vmem>>, vector<16xf32>, vector<16xi1>
          tpu.vector_store %arg12[%swap3A_435], %max3A masked %eq3A_11 {strides = array<i32>} : memref<128xf32, #tpu.memory_space<vmem>>, vector<16xf32>, vector<16xi1>
          %swap3A_437 = arith.index_cast %while3A_309 : i32 to index
          %swap3A_438 = tpu.vector_load %arg13[%swap3A_437] masked %eq3A_11 {strides = array<i32>} : memref<128xf32, #tpu.memory_space<vmem>>, vector<16xf32>, vector<16xi1>
          tpu.vector_store %arg13[%swap3A_437], %min3A_364 masked %eq3A_11 {strides = array<i32>} : memref<128xf32, #tpu.memory_space<vmem>>, vector<16xf32>, vector<16xi1>
          %swap3A_439 = arith.index_cast %while3A_309 : i32 to index
          %swap3A_440 = tpu.vector_load %arg14[%swap3A_439] masked %eq3A_11 {strides = array<i32>} : memref<128xf32, #tpu.memory_space<vmem>>, vector<16xf32>, vector<16xi1>
          tpu.vector_store %arg14[%swap3A_439], %max3A_365 masked %eq3A_11 {strides = array<i32>} : memref<128xf32, #tpu.memory_space<vmem>>, vector<16xf32>, vector<16xi1>
          %swap3A_441 = arith.index_cast %while3A_309 : i32 to index
          %swap3A_442 = tpu.vector_load %arg15[%swap3A_441] masked %eq3A_11 {strides = array<i32>} : memref<128xf32, #tpu.memory_space<vmem>>, vector<16xf32>, vector<16xi1>
          tpu.vector_store %arg15[%swap3A_441], %mul3A_368 masked %eq3A_11 {strides = array<i32>} : memref<128xf32, #tpu.memory_space<vmem>>, vector<16xf32>, vector<16xi1>
          %eq3A_443 = arith.constant 0 : i32
          %eq3A_444 = vector.broadcast %eq3A_443 : i32 to vector<16xi32>
          %eq3A_445 = arith.cmpi eq, %iota3A, %eq3A_444 : vector<16xi32>
          %eq3A_446 = arith.constant 1 : i32
          %eq3A_447 = vector.broadcast %eq3A_446 : i32 to vector<16xi32>
          %eq3A_448 = arith.cmpi eq, %iota3A, %eq3A_447 : vector<16xi32>
          %eq3A_449 = arith.constant 2 : i32
          %eq3A_450 = vector.broadcast %eq3A_449 : i32 to vector<16xi32>
          %eq3A_451 = arith.cmpi eq, %iota3A, %eq3A_450 : vector<16xi32>
          %select_n3A_452 = arith.select %eq3A_451, %gather3A_362, %gather3A_363 : vector<16xi1>, vector<16xf32>
          %select_n3A_453 = arith.select %eq3A_448, %gather3A_361, %select_n3A_452 : vector<16xi1>, vector<16xf32>
          %select_n3A_454 = arith.select %eq3A_445, %gather3A_360, %select_n3A_453 : vector<16xi1>, vector<16xf32>
          %mul3A_455 = arith.constant 4 : i32
          %mul3A_456 = arith.muli %mul3A_455, %while3A_309 : i32
          %lt3A_457 = arith.constant 4 : i32
          %lt3A_458 = vector.broadcast %lt3A_457 : i32 to vector<16xi32>
          %lt3A_459 = arith.cmpi slt, %iota3A, %lt3A_458 : vector<16xi32>
          %swap3A_460 = arith.index_cast %mul3A_456 : i32 to index
          %swap3A_461 = tpu.vector_load %arg16[%swap3A_460] masked %lt3A_459 {strides = array<i32>} : memref<512xf32, #tpu.memory_space<vmem>>, vector<16xf32>, vector<16xi1>
          tpu.vector_store %arg16[%swap3A_460], %select_n3A_454 masked %lt3A_459 {strides = array<i32>} : memref<512xf32, #tpu.memory_space<vmem>>, vector<16xf32>, vector<16xi1>
        } else {
        }
        %convert_element_type3A_425 = arith.extui %gt3A_328 : i1 to i32
        %cond3A_426 = arith.constant 0 : i32
        %cond3A_427 = arith.cmpi ne, %convert_element_type3A_425, %cond3A_426 : i32
        scf.if %cond3A_427 {
          %swap3A_433 = arith.index_cast %add3A_355 : i32 to index
          %swap3A_434 = tpu.vector_load %arg5[%swap3A_433] masked %eq3A_11 {strides = array<i32>} : memref<20752xf32, #tpu.memory_space<vmem>>, vector<16xf32>, vector<16xi1>
          tpu.vector_store %arg5[%swap3A_433], %broadcast_in_dim3A_6 masked %eq3A_11 {strides = array<i32>} : memref<20752xf32, #tpu.memory_space<vmem>>, vector<16xf32>, vector<16xi1>
          %eq3A_435 = vector.broadcast %while3A_353#0 : i32 to vector<16xi32>
          %eq3A_436 = arith.cmpi eq, %iota3A, %eq3A_435 : vector<16xi32>
          %select_n3A_437 = arith.select %eq3A_436, %broadcast_in_dim3A_6, %while3A_353#1 : vector<16xi1>, vector<16xf32>
          %reduce_max3A_438 = arith.constant true
          %reduce_max3A_439 = vector.broadcast %reduce_max3A_438 : i1 to vector<16xi1>
          %reduce_max3A_440 = tpu.scan <max>, %select_n3A_437 masked %reduce_max3A_439 : vector<16xf32>, vector<16xi1> -> vector<16xf32>
          %reduce_max3A_441 = vector.extract %reduce_max3A_440[15] : f32 from vector<16xf32>
          %broadcast_in_dim3A_442 = arith.constant 0.000000e+00 : f32
          %broadcast_in_dim3A_443 = vector.broadcast %broadcast_in_dim3A_442 : f32 to vector<16xf32>
          %add3A_444 = vector.broadcast %reduce_max3A_441 : f32 to vector<16xf32>
          %add3A_445 = arith.addf %broadcast_in_dim3A_443, %add3A_444 : vector<16xf32>
          %swap3A_446 = arith.index_cast %reduce_min3A_340 : i32 to index
          %swap3A_447 = tpu.vector_load %arg17[%swap3A_446] masked %eq3A_11 {strides = array<i32>} : memref<1312xf32, #tpu.memory_space<vmem>>, vector<16xf32>, vector<16xi1>
          tpu.vector_store %arg17[%swap3A_446], %add3A_445 masked %eq3A_11 {strides = array<i32>} : memref<1312xf32, #tpu.memory_space<vmem>>, vector<16xf32>, vector<16xi1>
        } else {
        }
        %convert_element_type3A_428 = arith.extui %and3A_421 : i1 to i32
        %add3A_429 = arith.addi %while3A_309, %convert_element_type3A_428 : i32
        %lt3A_430 = arith.constant 100 : i32
        %lt3A_431 = arith.cmpi slt, %add3A_429, %lt3A_430 : i32
        %and3A_432 = arith.andi %gt3A_328, %lt3A_431 : i1
        scf.yield %add3A_429, %and3A_432 : i32, i1
      }
      "tpu.region"() ({
        %run_scoped3A_309 = tpu.sem_alloc : memref<!tpu.dma_semaphore, #tpu.memory_space<semaphore_mem>>
        %dma_start3A = arith.constant 0 : i32
        %dma_start3A_310 = tpu.memref_slice %arg4[%arg1, %dma_start3A] : memref<4x512xf32, #tpu.memory_space<hbm>> -> memref<1x512xf32, #tpu.memory_space<hbm>>
        %dma_start3A_311 = tpu.memref_squeeze %dma_start3A_310 : memref<1x512xf32, #tpu.memory_space<hbm>> -> memref<512xf32, #tpu.memory_space<hbm>>
        %dma_start3A_312 = arith.constant 0 : i32
        %dma_start3A_313 = tpu.memref_slice %arg4[%arg1, %dma_start3A_312] : memref<4x512xf32, #tpu.memory_space<hbm>> -> memref<1x512xf32, #tpu.memory_space<hbm>>
        %dma_start3A_314 = tpu.memref_squeeze %dma_start3A_313 : memref<1x512xf32, #tpu.memory_space<hbm>> -> memref<512xf32, #tpu.memory_space<hbm>>
        tpu.enqueue_dma source(%arg16 : memref<512xf32, #tpu.memory_space<vmem>>) target(%dma_start3A_314 : memref<512xf32, #tpu.memory_space<hbm>>) target_semaphore(%run_scoped3A_309 : memref<!tpu.dma_semaphore, #tpu.memory_space<semaphore_mem>>)
        %dma_wait3A = arith.constant 0 : i32
        %dma_wait3A_315 = tpu.memref_slice %arg4[%arg1, %dma_wait3A] : memref<4x512xf32, #tpu.memory_space<hbm>> -> memref<1x512xf32, #tpu.memory_space<hbm>>
        %dma_wait3A_316 = tpu.memref_squeeze %dma_wait3A_315 : memref<1x512xf32, #tpu.memory_space<hbm>> -> memref<512xf32, #tpu.memory_space<hbm>>
        %dma_wait3A_317 = arith.constant 0 : i32
        %dma_wait3A_318 = tpu.memref_slice %arg4[%arg1, %dma_wait3A_317] : memref<4x512xf32, #tpu.memory_space<hbm>> -> memref<1x512xf32, #tpu.memory_space<hbm>>
        %dma_wait3A_319 = tpu.memref_squeeze %dma_wait3A_318 : memref<1x512xf32, #tpu.memory_space<hbm>> -> memref<512xf32, #tpu.memory_space<hbm>>
        tpu.wait_dma2 semaphore(%run_scoped3A_309 : memref<!tpu.dma_semaphore, #tpu.memory_space<semaphore_mem>>) src(%arg16 : memref<512xf32, #tpu.memory_space<vmem>>) dst(%dma_wait3A_319 : memref<512xf32, #tpu.memory_space<hbm>>)
        tpu.yield
      }) : () -> ()
    } else {
    }
    return
  }
}

module attributes {stable_mosaic.version = 14 : i64} {
  func.func @_decode_kernel(%arg0: memref<4x4x8x2592xf32, #tpu.memory_space<vmem>>, %arg1: memref<4x8x2592xf32, #tpu.memory_space<vmem>>, %arg2: memref<4x4x8x2592xf32, #tpu.memory_space<vmem>>) attributes {dimension_semantics = [], scalar_prefetch = 0 : i64, scratch_operands = 0 : i64, tpu.core_type = #tpu.core_type<tc>} {
    %get3A = arith.constant 0 : index
    %get3A_0 = arith.constant 0 : index
    %get3A_1 = arith.constant 0 : index
    %get3A_2 = arith.constant 0 : index
    %get3A_3 = vector.load %arg0[%get3A, %get3A_0, %get3A_1, %get3A_2] : memref<4x4x8x2592xf32, #tpu.memory_space<vmem>>, vector<1x4x8x2592xf32>
    %get3A_4 = vector.shape_cast %get3A_3 : vector<1x4x8x2592xf32> to vector<4x8x2592xf32>
    %get3A_5 = arith.constant 1 : index
    %get3A_6 = arith.constant 0 : index
    %get3A_7 = arith.constant 0 : index
    %get3A_8 = arith.constant 0 : index
    %get3A_9 = vector.load %arg0[%get3A_5, %get3A_6, %get3A_7, %get3A_8] : memref<4x4x8x2592xf32, #tpu.memory_space<vmem>>, vector<1x4x8x2592xf32>
    %get3A_10 = vector.shape_cast %get3A_9 : vector<1x4x8x2592xf32> to vector<4x8x2592xf32>
    %get3A_11 = arith.constant 2 : index
    %get3A_12 = arith.constant 0 : index
    %get3A_13 = arith.constant 0 : index
    %get3A_14 = arith.constant 0 : index
    %get3A_15 = vector.load %arg0[%get3A_11, %get3A_12, %get3A_13, %get3A_14] : memref<4x4x8x2592xf32, #tpu.memory_space<vmem>>, vector<1x4x8x2592xf32>
    %get3A_16 = vector.shape_cast %get3A_15 : vector<1x4x8x2592xf32> to vector<4x8x2592xf32>
    %get3A_17 = arith.constant 3 : index
    %get3A_18 = arith.constant 0 : index
    %get3A_19 = arith.constant 0 : index
    %get3A_20 = arith.constant 0 : index
    %get3A_21 = vector.load %arg0[%get3A_17, %get3A_18, %get3A_19, %get3A_20] : memref<4x4x8x2592xf32, #tpu.memory_space<vmem>>, vector<1x4x8x2592xf32>
    %get3A_22 = vector.shape_cast %get3A_21 : vector<1x4x8x2592xf32> to vector<4x8x2592xf32>
    %get3A_23 = arith.constant 0 : index
    %get3A_24 = arith.constant 0 : index
    %get3A_25 = arith.constant 0 : index
    %get3A_26 = vector.load %arg1[%get3A_23, %get3A_24, %get3A_25] : memref<4x8x2592xf32, #tpu.memory_space<vmem>>, vector<1x8x2592xf32>
    %get3A_27 = arith.constant 1 : index
    %get3A_28 = arith.constant 0 : index
    %get3A_29 = arith.constant 0 : index
    %get3A_30 = vector.load %arg1[%get3A_27, %get3A_28, %get3A_29] : memref<4x8x2592xf32, #tpu.memory_space<vmem>>, vector<1x8x2592xf32>
    %get3A_31 = arith.constant 2 : index
    %get3A_32 = arith.constant 0 : index
    %get3A_33 = arith.constant 0 : index
    %get3A_34 = vector.load %arg1[%get3A_31, %get3A_32, %get3A_33] : memref<4x8x2592xf32, #tpu.memory_space<vmem>>, vector<1x8x2592xf32>
    %get3A_35 = arith.constant 3 : index
    %get3A_36 = arith.constant 0 : index
    %get3A_37 = arith.constant 0 : index
    %get3A_38 = vector.load %arg1[%get3A_35, %get3A_36, %get3A_37] : memref<4x8x2592xf32, #tpu.memory_space<vmem>>, vector<1x8x2592xf32>
    %add3A = arith.addf %get3A_26, %get3A_30 : vector<1x8x2592xf32>
    %mul3A = arith.constant 5.000000e-01 : f32
    %mul3A_39 = vector.broadcast %mul3A : f32 to vector<1x8x2592xf32>
    %mul3A_40 = arith.mulf %add3A, %mul3A_39 : vector<1x8x2592xf32>
    %add3A_41 = arith.addf %get3A_34, %get3A_38 : vector<1x8x2592xf32>
    %mul3A_42 = arith.constant 5.000000e-01 : f32
    %mul3A_43 = vector.broadcast %mul3A_42 : f32 to vector<1x8x2592xf32>
    %mul3A_44 = arith.mulf %add3A_41, %mul3A_43 : vector<1x8x2592xf32>
    %sub3A = arith.subf %get3A_30, %get3A_26 : vector<1x8x2592xf32>
    %sub3A_45 = arith.subf %get3A_38, %get3A_34 : vector<1x8x2592xf32>
    %mul3A_46 = vector.broadcast %sub3A : vector<1x8x2592xf32> to vector<4x8x2592xf32>
    %mul3A_47 = arith.mulf %get3A_4, %mul3A_46 : vector<4x8x2592xf32>
    %add3A_48 = vector.broadcast %mul3A_40 : vector<1x8x2592xf32> to vector<4x8x2592xf32>
    %add3A_49 = arith.addf %mul3A_47, %add3A_48 : vector<4x8x2592xf32>
    %mul3A_50 = vector.broadcast %sub3A_45 : vector<1x8x2592xf32> to vector<4x8x2592xf32>
    %mul3A_51 = arith.mulf %get3A_10, %mul3A_50 : vector<4x8x2592xf32>
    %add3A_52 = vector.broadcast %mul3A_44 : vector<1x8x2592xf32> to vector<4x8x2592xf32>
    %add3A_53 = arith.addf %mul3A_51, %add3A_52 : vector<4x8x2592xf32>
    %exp3A = math.exp %get3A_16 : vector<4x8x2592xf32>
    %mul3A_54 = vector.broadcast %sub3A : vector<1x8x2592xf32> to vector<4x8x2592xf32>
    %mul3A_55 = arith.mulf %exp3A, %mul3A_54 : vector<4x8x2592xf32>
    %exp3A_56 = math.exp %get3A_22 : vector<4x8x2592xf32>
    %mul3A_57 = vector.broadcast %sub3A_45 : vector<1x8x2592xf32> to vector<4x8x2592xf32>
    %mul3A_58 = arith.mulf %exp3A_56, %mul3A_57 : vector<4x8x2592xf32>
    %mul3A_59 = arith.constant 5.000000e-01 : f32
    %mul3A_60 = vector.broadcast %mul3A_59 : f32 to vector<4x8x2592xf32>
    %mul3A_61 = arith.mulf %mul3A_58, %mul3A_60 : vector<4x8x2592xf32>
    %add3A_62 = arith.addf %add3A_53, %mul3A_61 : vector<4x8x2592xf32>
    %min3A = arith.constant 1.000000e+00 : f32
    %min3A_63 = vector.broadcast %min3A : f32 to vector<4x8x2592xf32>
    %min3A_64 = arith.minimumf %add3A_62, %min3A_63 : vector<4x8x2592xf32>
    %swap3A = arith.constant 0 : index
    %swap3A_65 = arith.constant 0 : index
    %swap3A_66 = arith.constant 0 : index
    %swap3A_67 = arith.constant 0 : index
    %swap3A_68 = vector.load %arg2[%swap3A, %swap3A_65, %swap3A_66, %swap3A_67] : memref<4x4x8x2592xf32, #tpu.memory_space<vmem>>, vector<1x4x8x2592xf32>
    %swap3A_69 = vector.shape_cast %swap3A_68 : vector<1x4x8x2592xf32> to vector<4x8x2592xf32>
    %swap3A_70 = vector.shape_cast %min3A_64 : vector<4x8x2592xf32> to vector<1x4x8x2592xf32>
    tpu.vector_store %arg2[%swap3A, %swap3A_65, %swap3A_66, %swap3A_67], %swap3A_70 {strides = array<i32>} : memref<4x4x8x2592xf32, #tpu.memory_space<vmem>>, vector<1x4x8x2592xf32>,
    %mul3A_71 = arith.constant 5.000000e-01 : f32
    %mul3A_72 = vector.broadcast %mul3A_71 : f32 to vector<4x8x2592xf32>
    %mul3A_73 = arith.mulf %mul3A_55, %mul3A_72 : vector<4x8x2592xf32>
    %sub3A_74 = arith.subf %add3A_49, %mul3A_73 : vector<4x8x2592xf32>
    %max3A = arith.constant 0.000000e+00 : f32
    %max3A_75 = vector.broadcast %max3A : f32 to vector<4x8x2592xf32>
    %max3A_76 = arith.maximumf %sub3A_74, %max3A_75 : vector<4x8x2592xf32>
    %swap3A_77 = arith.constant 1 : index
    %swap3A_78 = arith.constant 0 : index
    %swap3A_79 = arith.constant 0 : index
    %swap3A_80 = arith.constant 0 : index
    %swap3A_81 = vector.load %arg2[%swap3A_77, %swap3A_78, %swap3A_79, %swap3A_80] : memref<4x4x8x2592xf32, #tpu.memory_space<vmem>>, vector<1x4x8x2592xf32>
    %swap3A_82 = vector.shape_cast %swap3A_81 : vector<1x4x8x2592xf32> to vector<4x8x2592xf32>
    %swap3A_83 = vector.shape_cast %max3A_76 : vector<4x8x2592xf32> to vector<1x4x8x2592xf32>
    tpu.vector_store %arg2[%swap3A_77, %swap3A_78, %swap3A_79, %swap3A_80], %swap3A_83 {strides = array<i32>} : memref<4x4x8x2592xf32, #tpu.memory_space<vmem>>, vector<1x4x8x2592xf32>,
    %mul3A_84 = arith.constant 5.000000e-01 : f32
    %mul3A_85 = vector.broadcast %mul3A_84 : f32 to vector<4x8x2592xf32>
    %mul3A_86 = arith.mulf %mul3A_58, %mul3A_85 : vector<4x8x2592xf32>
    %sub3A_87 = arith.subf %add3A_53, %mul3A_86 : vector<4x8x2592xf32>
    %max3A_88 = arith.constant 0.000000e+00 : f32
    %max3A_89 = vector.broadcast %max3A_88 : f32 to vector<4x8x2592xf32>
    %max3A_90 = arith.maximumf %sub3A_87, %max3A_89 : vector<4x8x2592xf32>
    %swap3A_91 = arith.constant 2 : index
    %swap3A_92 = arith.constant 0 : index
    %swap3A_93 = arith.constant 0 : index
    %swap3A_94 = arith.constant 0 : index
    %swap3A_95 = vector.load %arg2[%swap3A_91, %swap3A_92, %swap3A_93, %swap3A_94] : memref<4x4x8x2592xf32, #tpu.memory_space<vmem>>, vector<1x4x8x2592xf32>
    %swap3A_96 = vector.shape_cast %swap3A_95 : vector<1x4x8x2592xf32> to vector<4x8x2592xf32>
    %swap3A_97 = vector.shape_cast %max3A_90 : vector<4x8x2592xf32> to vector<1x4x8x2592xf32>
    tpu.vector_store %arg2[%swap3A_91, %swap3A_92, %swap3A_93, %swap3A_94], %swap3A_97 {strides = array<i32>} : memref<4x4x8x2592xf32, #tpu.memory_space<vmem>>, vector<1x4x8x2592xf32>,
    %mul3A_98 = arith.constant 5.000000e-01 : f32
    %mul3A_99 = vector.broadcast %mul3A_98 : f32 to vector<4x8x2592xf32>
    %mul3A_100 = arith.mulf %mul3A_55, %mul3A_99 : vector<4x8x2592xf32>
    %add3A_101 = arith.addf %add3A_49, %mul3A_100 : vector<4x8x2592xf32>
    %min3A_102 = arith.constant 1.000000e+00 : f32
    %min3A_103 = vector.broadcast %min3A_102 : f32 to vector<4x8x2592xf32>
    %min3A_104 = arith.minimumf %add3A_101, %min3A_103 : vector<4x8x2592xf32>
    %swap3A_105 = arith.constant 3 : index
    %swap3A_106 = arith.constant 0 : index
    %swap3A_107 = arith.constant 0 : index
    %swap3A_108 = arith.constant 0 : index
    %swap3A_109 = vector.load %arg2[%swap3A_105, %swap3A_106, %swap3A_107, %swap3A_108] : memref<4x4x8x2592xf32, #tpu.memory_space<vmem>>, vector<1x4x8x2592xf32>
    %swap3A_110 = vector.shape_cast %swap3A_109 : vector<1x4x8x2592xf32> to vector<4x8x2592xf32>
    %swap3A_111 = vector.shape_cast %min3A_104 : vector<4x8x2592xf32> to vector<1x4x8x2592xf32>
    tpu.vector_store %arg2[%swap3A_105, %swap3A_106, %swap3A_107, %swap3A_108], %swap3A_111 {strides = array<i32>} : memref<4x4x8x2592xf32, #tpu.memory_space<vmem>>, vector<1x4x8x2592xf32>,
    return
  }
}

</mosaic_0001>

<sc_bundles>
// kernel: kernel.4.cloned.1.call-start
scs
__scs_entry_jumppad:
0x0: {  	(pc) =	sbr.rel $0x88, $3  }
0x1: {  	(tag) =	ssettag $0x0;
	lr =	simm.s32 $0x1  }
0x2: {  	[smem:$0x3F9E] =	sst lr;
	_ =	strace $0xD0000000  }
0x3: {  	_ = 	snop  }
0x4: {  	_ = 	snop  }
0x5: {  	_ = 	snop  }
0x6: {  	_ = 	snop  }
0x7: {  	_ = 	snop  }
__scs_overlays_trampoline_lowered:
0x8: {  	[smem:$0x3FAD] =	sst s0  }
0x9: {  	[smem:$0x3FAE] =	sst s1  }
0xa: {  	[smem:$0x3FAF] =	sst s2  }
0xb: {  	[smem:$0x3FB0] =	sst s3  }
0xc: {  	[smem:$0x3FB1] =	sst s4  }
0xd: {  	[smem:$0x3FB2] =	sst s5  }
0xe: {  	[smem:$0x3FB3] =	sst s6  }
0xf: {  	[smem:$0x3FB4] =	sst s7  }
0x10: {  	[smem:$0x3FB5] =	sst s8  }
0x11: {  	[smem:$0x3FB6] =	sst s9;
	s0 =	simm.s32 @!p0 $0x0  }
0x12: {  	s1 =	sld [smem:$0x3F9C];
	s0 =	simm.s32 @p0 $0x1  }
0x13: {  	[smem:$0x3FB7] =	sst s0;
	s0 =	simm.s32 @!p1 $0x0  }
0x14: {  	s2 =	sld [smem:$0x3F9B];
	s0 =	simm.s32 @p1 $0x1  }
0x15: {  	[smem:$0x3FB8] =	sst s0;
	s0 =	simm.s32 @!p2 $0x0  }
0x16: {  	s3 =	sld [smem:$0x3FDB];
	s0 =	simm.s32 @p2 $0x1  }
0x17: {  	s4 =	simm.s32 $0x1BF5;
	[smem:$0x3FBA] =	sst s0  }
0x18: {  	s0 =	sld [smem:$0x3F9D];
	_ =	swait.ge [sflag:s4], $0x0  }
0x19: {  	s7 =	sld [smem:$0x3F9E]  }
0x1a: {  	s8 =	sadd.s32 $0xFFFFE003, lr  }
0x1b: {  	s9 =	sadd.s32 $0xFFFFFEF7, lr;
	s5 =	simm.s32 $0xFFFFFFFF;
	p2 =	slt.u32 s8, $0xFFFFF086  }
0x1c: {  	p1 =	slt.u32 s9, $0xF7A;
	s5 =	simm.s32 @!p2 $0x0  }
0x1d: {  	s5 =	simm.s32 @p1 $0x1;
	p0 =	seq.s32 s7, s2  }
0x1e: {  	s7 =	smul.u32 @!p0 $0xF7A, s2;
	p2 =	seq.s32 @!p0 s5, $0x0  }
0x1f: {  	s9 =	smul.u32 $0xF7A, s1;
	s8 =	simm.s32 @!p0 $0x1BF5;
	p2 =	por !p2, p0  }
0x20: {  	[sflag:s8] =	ssyncset.s32 @!p0 $0xFFFFF086;
	s6 =	sadd.s32 @!p0 s3, s7;
	s7 =	simm.s32 @!p0 $0x108  }
0x21: {  	s3 =	sadd.s32 s3, s9;
	s6 =	sadd.s32 @!p0 $0x88, s6;
	s7 =	simm.s32 @p2 $0x1082  }
0x22: {  	[simem:s7], [sflag:s8] =	dma.local @!p0 [hbm:s6], $0xF7A  }
0x23: {  	s9 =	sor.u32 $0xD0000000, s2;
	s6 =	simm.s32 $0x108;
	_ =	swait.ge @!p0 [sflag:s8], $0x0  }
0x24: {  	s3 =	sadd.s32 $0x88, s3;
	s6 =	simm.s32 @!p1 $0x1082;
	[sflag:s4] =	ssyncset.s32 $0xFFFFF086  }
0x25: {  	[simem:s6], [sflag:s4] =	dma.local [hbm:s3], $0xF7A  }
0x26: {  	[smem:$0x3F9E] =	sst s1;
	(tag) =	ssettag s2;
	_ =	strace s9  }
0x27: {  	s1 =	sld [smem:$0x3FAE]  }
0x28: {  	s2 =	sld [smem:$0x3FAF]  }
0x29: {  	s4 =	sld [smem:$0x3FB1]  }
0x2a: {  	p0 =	seq.s32 s5, $0x0;
	s5 =	sld [smem:$0x3FB2]  }
0x2b: {  	s6 =	sld [smem:$0x3FB3]  }
0x2c: {  	s7 =	sld [smem:$0x3FB4]  }
0x2d: {  	s3 =	simm.s32 $0x108;
	s8 =	sld [smem:$0x3FB5]  }
0x2e: {  	s3 =	simm.s32 @!p0 $0x1082;
	s9 =	sld [smem:$0x3FB6]  }
0x2f: {  	lr =	sadd.s32 s0, s3;
	s0 =	sld [smem:$0x3FAD]  }
0x30: {  	s3 =	sld [smem:$0x3FB0]  }
0x31: {  	[smem:$0x3FB9] =	sst s10  }
0x32: {  	s10 =	sld [smem:$0x3FB7];
	_ =	sdelay $0x3  }
0x33: {  	p0 =	seq.s32 s10, $0x1;
	s10 =	sld [smem:$0x3FB9];
	_ =	sdelay $0x3  }
0x34: {  	[smem:$0x3FB9] =	sst s10  }
0x35: {  	s10 =	sld [smem:$0x3FB8];
	_ =	sdelay $0x3  }
0x36: {  	p1 =	seq.s32 s10, $0x1;
	s10 =	sld [smem:$0x3FB9];
	_ =	sdelay $0x3  }
0x37: {  	[smem:$0x3FB9] =	sst s10  }
0x38: {  	s10 =	sld [smem:$0x3FBA]  }
0x39: {  	_ = 	snop;
	(pc) =	sbr.ind lr, $3  }
0x3a: {  	_ = 	snop  }
0x3b: {  	_ = 	snop  }
0x3c: {  	p2 =	seq.s32 s10, $0x1;
	s10 =	sld [smem:$0x3FB9]  }
0x3d: {  	_ =	shalt  }
0x3e: {  	_ =	shalt  }
0x3f: {  	_ =	shalt  }
0x40: {  	_ =	shalt  }
0x41: {  	_ =	shalt  }
0x42: {  	_ =	shalt  }
0x43: {  	_ =	shalt  }
0x44: {  	_ =	shalt  }
0x45: {  	_ =	shalt  }
0x46: {  	_ =	shalt  }
0x47: {  	_ =	shalt  }
0x48: {  	_ =	shalt  }
0x49: {  	_ =	shalt  }
0x4a: {  	_ =	shalt  }
0x4b: {  	_ =	shalt  }
0x4c: {  	_ =	shalt  }
0x4d: {  	_ =	shalt  }
0x4e: {  	_ =	shalt  }
0x4f: {  	_ =	shalt  }
0x50: {  	_ =	shalt  }
0x51: {  	_ =	shalt  }
0x52: {  	_ =	shalt  }
0x53: {  	_ =	shalt  }
0x54: {  	_ =	shalt  }
0x55: {  	_ =	shalt  }
0x56: {  	_ =	shalt  }
0x57: {  	_ =	shalt  }
0x58: {  	_ =	shalt  }
0x59: {  	_ =	shalt  }
0x5a: {  	_ =	shalt  }
0x5b: {  	_ =	shalt  }
0x5c: {  	_ =	shalt  }
0x5d: {  	_ =	shalt  }
0x5e: {  	_ =	shalt  }
0x5f: {  	_ =	shalt  }
0x60: {  	_ =	shalt  }
0x61: {  	_ =	shalt  }
0x62: {  	_ =	shalt  }
0x63: {  	_ =	shalt  }
0x64: {  	_ =	shalt  }
0x65: {  	_ =	shalt  }
0x66: {  	_ =	shalt  }
0x67: {  	_ =	shalt  }
0x68: {  	_ =	shalt  }
0x69: {  	_ =	shalt  }
0x6a: {  	_ =	shalt  }
0x6b: {  	_ =	shalt  }
0x6c: {  	_ =	shalt  }
0x6d: {  	_ =	shalt  }
0x6e: {  	_ =	shalt  }
0x6f: {  	_ =	shalt  }
0x70: {  	_ =	shalt  }
0x71: {  	_ =	shalt  }
0x72: {  	_ =	shalt  }
0x73: {  	_ =	shalt  }
0x74: {  	_ =	shalt  }
0x75: {  	_ =	shalt  }
0x76: {  	_ =	shalt  }
0x77: {  	_ =	shalt  }
0x78: {  	_ =	shalt  }
0x79: {  	_ =	shalt  }
0x7a: {  	_ =	shalt  }
0x7b: {  	_ =	shalt  }
0x7c: {  	_ =	shalt  }
0x7d: {  	_ =	shalt  }
0x7e: {  	_ =	shalt  }
0x7f: {  	_ =	shalt  }
0x80: {  	_ =	shalt  }
0x81: {  	_ =	shalt  }
0x82: {  	_ =	shalt  }
0x83: {  	_ =	shalt  }
0x84: {  	_ =	shalt  }
0x85: {  	_ =	shalt  }
0x86: {  	_ =	shalt  }
0x87: {  	_ =	shalt  }
.Lfunc_end0:
.L_simem_size_0:
called_computation_lowered:
.L_overlay_start_0:
0x88: {  	s2 =	sld [smem:$0x3FD9]  }
0x89: {  	s3 =	sld [smem:$0x3FFE];
	_ =	sdelay $0x1  }
0x8a: {  	s1 =	srdreg.scid  }
0x8b: {  	s0 =	sand.u32 $0x1, s1  }
0x8c: {  	s17 =	sshll.u32 s0, $0xA;
	s2 =	sadd.s32 s3, s2  }
0x8d: {  	s2 =	sadd.s32 s2, s17  }
0x8e: {  	[smem:$0x3FC5] =	sst s2  }
0x8f: {  	_ = 	snop  }
0x90: {  	s2 =	sld [smem:$0x3FD0];
	(tm) =	ssettm $0x1  }
0x91: {  	s18 =	sld [smem:$0x3FFB];
	_ =	sdelay $0x3  }
0x92: {  	_ =	strace s18  }
0x93: {  	s3 =	sld [smem:$0x3FFC];
	_ =	sdelay $0x3  }
0x94: {  	_ =	strace s3  }
0x95: {  	s3 =	sld [smem:$0x3FFD];
	_ =	sdelay $0x3  }
0x96: {  	_ =	strace s3  }
0x97: {  	_ =	strace $0x8FFFFFFF  }
0x98: {  	s19 =	sld [smem:$0x3FDB];
	_ =	sdelay $0x1  }
0x99: {  	s4 =	simm.s32 $_scs_section_size  }
0x9a: {  	s5 =	simm.s32 $_size__tile_overlayer_lowered;
	s6 =	simm.s32 $_tile_overlayer_lowered  }
0x9b: {  	s22 =	simm.s32 $0x1BFF;
	s21 =	sshll.u32 s6, $0x1;
	s3 =	sadd.s32 s4, s19  }
0x9c: {  	s7 =	simm.s32 $0x0;
	s20 =	sshll.u32 s5, $0x1;
	s5 =	sadd.s32 s21, s3  }
0x9d: {  	[timem:s7], [sflag:s22] =	dma.local [hbm:s5], s20  }
0x9e: {  	_ =	swait.ge [sflag:s22], s20  }
0x9f: {  	s4 =	ssub.s32 $0x0, s20;
	[sflag:s22] =	ssyncset.done $0x0  }
0xa0: {  	[sflag:s22] =	ssyncadd.s32 s4;
	_ =	sdelay $0x1  }
0xa1: {  	s23 =	simm.s32 $0x1B8B  }
0xa2: {  	_ =	swait.ge [sflag:s23], $0x1  }
0xa3: {  	[sflag:s23] =	ssyncset.done $0x0  }
0xa4: {  	s25 =	simm.s32 $0x1B8E;
	s24 =	sld [smem:$0x3FFE];
	[sflag:s23] =	ssyncadd.s32 $0xFFFFFFFF  }
0xa5: {  	s26 =	simm.s32 $execute0_lowered;
	[smem:$0x3FD2] =	sst s25  }
0xa6: {  	s5 =	sshll.u32 s26, $0x1;
	_ =	strace $0x80000046;
	[dreg:$0x1] =	wrdreg $0xFFFFFFFF  }
0xa7: {  	s28 =	simm.s32 $_size_execute0_lowered;
	s3 =	sadd.s32 s3, s5;
	[dreg:$0x0] =	wrdreg $0x0  }
0xa8: {  	s5 =	sshll.u32 s28, $0x1;
	[dreg:$0x2] =	wrdreg s3  }
0xa9: {  	[dreg:$0x3] =	wrdreg s5  }
0xaa: {  	[dreg:$0x4] =	wrdreg $0xC0  }
0xab: {  	_ =	task [dreg:s7], $0x5FFFF  }
0xac: {  	[dreg:$0x1] =	wrdreg $0xFFFFFFFF  }
0xad: {  	[dreg:$0x0] =	wrdreg $0x60  }
0xae: {  	[dreg:$0x2] =	wrdreg s24  }
0xaf: {  	[dreg:$0x3] =	wrdreg s2  }
0xb0: {  	[dreg:$0x4] =	wrdreg $0x9  }
0xb1: {  	_ =	task.clear_ibuf [dreg:s7], $0x5FFFF;
	_ =	strace $0x90000046  }
0xb2: {  	s29 =	simm.s32 $0x9;
	_ =	strace $0x80000048  }
0xb3: {  	_ =	swait.ge [sflag:s29], $0x1  }
0xb4: {  	[sflag:s29] =	ssyncadd.s32 $0xFFFFFFFF  }
0xb5: {  	_ =	strace $0x90000048  }
0xb6: {  	_ =	sfence  }
0xb7: {  	s30 =	sld [smem:$0x0];
	_ =	sdelay $0x2  }
0xb8: {  	s31 =	sshll.u32 s1, $0xD;
	s1 =	sshrl.u32 s1, $0x2  }
0xb9: {  	s3 =	sand.u32 $0x4000, s31;
	s1 =	sadd.s32 s1, s30  }
0xba: {  	s0 =	sor.u32 s3, s0;
	s1 =	sshll.u32 s1, $0x11  }
0xbb: {  	s0 =	sor.u32 s1, s0  }
0xbc: {  	s0 =	sadd.s32 $0x8F2B, s0  }
0xbd: {  	[sflag:s0] =	ssyncadd.remote.s32 $0x1  }
0xbe: {  	_ =	sfence.sel $0xFFFF  }
0xbf: {  	[dreg:$0x0] =	wrdreg $0xFFFFFFFF;
	(pc) =	sbr.abs _section_cstart, $3  }
0xc0: {  	[dreg:$0x1] =	wrdreg $0xFFFFFFFF  }
0xc1: {  	_ =	task.clear_ibuf [dreg:s7], $0x2FFFF;
	_ =	strace $0x9FFFFFFF  }
0xc2: {  	(tm) =	ssettm $0x7FFFFFFF  }
0xc3: {  	_ =	shalt  }
tec
execute0_lowered:
.L_overlay_start_1:
0x0: {  	(tag) =	ssettag $0x1  }
0x1: {  	s1 =	srdreg.scid;
	s0 =	stileid.u32  }
0x2: {  	s4 =	sand.u32 $0x1, s1;
	p0 =	sgt.u32 s0, $0x3  }
0x3: {  	p1 =	sne.s32 @!p0 s4, $0x0  }
0x4: {  	p0 =	por p0, p1  }
.Ltmp0:
0x5: {  	_ = 	snop;
	(pc) =	sbr.rel @p0 .LBB2_34-.Ltmp0, $4  }
0x6: {  	s5 =	rddreg [dreg:$0x0]  }
0x7: {  	s2 =	rddreg [dreg:$0x1];
	s3 =	simm.s32 $0x0  }
0x8: {  	[smem:$0x7FF] =	sst s3  }
0x9: {  	s1 =	rddreg [dreg:$0x2];
	_ =	strace $0x80000047  }
0xa: {  	s6 =	sadd.s32 $0xAA00, s5;
	s4 =	sshll.u32 s0, $0x4;
	s7 =	simm.s32 $0x80  }
0xb: {  	s8 =	simm.s32 $0x200;
	s25 =	simm.s32 $0x1;
	s6 =	sadd.s32 s6, s4  }
0xc: {  	[tilespmem:s3], [sflag:$0x1] =	stream.strided.gather [hbm4b:s6+s7], $0x5100, s8, s7, $0x38;
	[tilespmem:$0x1F300] =	vst v63  }
0xd: {  	_ =	swait.ge [sflag:s25], $0x5100  }
0xe: {  	s26 =	sadd.s32 $0x800, s5;
	[sflag:s25] =	ssyncset.done $0x0  }
0xf: {  	s9 =	simm.s32 $0xA300;
	s5 =	sadd.s32 s26, s4;
	[sflag:s25] =	ssyncadd.s32 $0xFFFFAF00  }
0x10: {  	[tilespmem:s9], [sflag:$0x1] =	stream.strided.gather [hbm4b:s5+s7], $0x5100, s8, s7, $0x38;
	[tilespmem:$0x1F300] =	vst v63  }
0x11: {  	_ =	swait.ge [sflag:s25], $0x5100  }
0x12: {  	[sflag:s25] =	ssyncset.done $0x0  }
0x13: {  	s10 =	simm.s32 $0xF480;
	s28 =	sadd.s32 $0x2880, s5;
	[sflag:s25] =	ssyncadd.s32 $0xFFFFAF00  }
0x14: {  	[tilespmem:s10], [sflag:$0x1] =	stream.strided.gather [hbm4b:s28+s7], $0x5100, s8, s7, $0x38;
	[tilespmem:$0x1F300] =	vst v63  }
0x15: {  	_ =	swait.ge [sflag:s25], $0x5100  }
0x16: {  	[sflag:s25] =	ssyncset.done $0x0  }
0x17: {  	s30 =	simm.s32 $0x14600;
	s29 =	sadd.s32 $0x5100, s5;
	[sflag:s25] =	ssyncadd.s32 $0xFFFFAF00  }
0x18: {  	[tilespmem:s30], [sflag:$0x1] =	stream.strided.gather [hbm4b:s29+s7], $0x5100, s8, s7, $0x38;
	[tilespmem:$0x1F300] =	vst v63  }
0x19: {  	_ =	swait.ge [sflag:s25], $0x5100  }
0x1a: {  	[sflag:s25] =	ssyncset.done $0x0  }
0x1b: {  	s31 =	simm.s32 $0x19780;
	s5 =	sadd.s32 $0x7980, s5;
	[sflag:s25] =	ssyncadd.s32 $0xFFFFAF00  }
0x1c: {  	[tilespmem:s31], [sflag:$0x1] =	stream.strided.gather [hbm4b:s5+s7], $0x5100, s8, s7, $0x38;
	[tilespmem:$0x1F300] =	vst v63  }
0x1d: {  	_ =	swait.ge [sflag:s25], $0x5100  }
0x1e: {  	[sflag:s25] =	ssyncset.done $0x0  }
0x1f: {  	v0 =	vimm.f32 $0.0e+00;
	[sflag:s25] =	ssyncadd.s32 $0xFFFFAF00  }
0x20: {  	[tilespmem:$0x1EB80] =	vst v0  }
0x21: {  	[tilespmem:$0x1EB90] =	vst v0  }
0x22: {  	[tilespmem:$0x1EBA0] =	vst v0  }
0x23: {  	[tilespmem:$0x1EBB0] =	vst v0  }
0x24: {  	[tilespmem:$0x1EBC0] =	vst v0  }
0x25: {  	[tilespmem:$0x1EBD0] =	vst v0  }
0x26: {  	[tilespmem:$0x1EBE0] =	vst v0  }
0x27: {  	[tilespmem:$0x1EBF0] =	vst v0  }
0x28: {  	[tilespmem:$0x1EC00] =	vst v0  }
0x29: {  	[tilespmem:$0x1EC10] =	vst v0  }
0x2a: {  	[tilespmem:$0x1EC20] =	vst v0  }
0x2b: {  	[tilespmem:$0x1EC30] =	vst v0  }
0x2c: {  	[tilespmem:$0x1EC40] =	vst v0  }
0x2d: {  	[tilespmem:$0x1EC50] =	vst v0  }
0x2e: {  	[tilespmem:$0x1EC60] =	vst v0  }
0x2f: {  	[tilespmem:$0x1EC70] =	vst v0  }
0x30: {  	[tilespmem:$0x1EC80] =	vst v0  }
0x31: {  	[tilespmem:$0x1EC90] =	vst v0  }
0x32: {  	[tilespmem:$0x1ECA0] =	vst v0  }
0x33: {  	[tilespmem:$0x1ECB0] =	vst v0  }
0x34: {  	[tilespmem:$0x1ECC0] =	vst v0  }
0x35: {  	[tilespmem:$0x1ECD0] =	vst v0  }
0x36: {  	[tilespmem:$0x1ECE0] =	vst v0  }
0x37: {  	[tilespmem:$0x1ECF0] =	vst v0  }
0x38: {  	[tilespmem:$0x1ED00] =	vst v0  }
0x39: {  	[tilespmem:$0x1ED10] =	vst v0  }
0x3a: {  	[tilespmem:$0x1ED20] =	vst v0  }
0x3b: {  	[tilespmem:$0x1ED30] =	vst v0  }
0x3c: {  	[tilespmem:$0x1ED40] =	vst v0  }
0x3d: {  	[tilespmem:$0x1ED50] =	vst v0  }
0x3e: {  	[tilespmem:$0x1ED60] =	vst v0  }
0x3f: {  	v3 =	vlaneseq.u32;
	s5 =	simm.s32 $0x20;
	[tilespmem:$0x1ED70] =	vst v0  }
0x40: {  	s2 =	sadd.s32 s2, s4;
	v2 =	vor.u32 $0x10, v3;
	v1 =	vor.u32 $0x20, v3;
	s4 =	simm.s32 $0x0;
	s6 =	simm.s32 $0x40;
	v0 =	vor.u32 $0x30, v3;
	v4 =	vld [tilespmem:s5+$0xFFFFFFE0]  }
.LBB2_2:
0x41: {  	p0 =	sne.s32 s6, $0x50C0;
	v5 =	vld [tilespmem:s5+$0xFFFFFFF0]  }
0x42: {  	v6 =	vld [tilespmem:s5+$0x0]  }
0x43: {  	v7 =	vld [tilespmem:s5+$0x10];
	_ =	sdelay $0x1  }
0x44: {  	vm0 =	vgt.f32 v4, $8.999999760e-01  }
0x45: {  	vm2 =	vgt.f32 v5, $8.999999760e-01;
	v8 =	vmpcnt.ones.xlane vm0;
	[tilespmem:s3+$0x0] =	vst.msk vm0, v4;
	v4 =	vor.u32 s4, v3  }
0x46: {  	vm1 =	vgt.f32 v6, $8.999999760e-01;
	v9 =	vmpcnt.ones.xlane vm2;
	[tilespmem:s3+$0x5180] =	vst.msk vm0, v4  }
0x47: {  	vm0 =	vgt.f32 v7, $8.999999760e-01;
	v4 =	vmpcnt.ones.xlane vm1;
	(v2sf) =	vpush v8, $0x0  }
0x48: {  	v8 =	vmpcnt.ones.xlane vm0;
	(v2sf) =	vpush v9, $0x0  }
0x49: {  	(v2sf) =	vpush v4, $0x0  }
0x4a: {  	(v2sf) =	vpush v8, $0x0;
	_ =	sdelay $0xb  }
0x4b: {  	s7 =	spop (v2sf)  }
0x4c: {  	s3 =	sadd.s32 s3, s7;
	s7 =	spop (v2sf)  }
0x4d: {  	v4 =	vor.u32 s4, v2;
	s7 =	sadd.s32 s7, s3;
	[tilespmem:s3+$0x0] =	vst.msk vm2, v5;
	s8 =	spop (v2sf)  }
0x4e: {  	s8 =	sadd.s32 s8, s7;
	[tilespmem:s3+$0x5180] =	vst.msk vm2, v4;
	s3 =	spop (v2sf)  }
.Ltmp1:
0x4f: {  	v4 =	vor.u32 s4, v1;
	[tilespmem:s7+$0x0] =	vst.msk vm1, v6;
	s3 =	sadd.s32 s3, s8;
	(pc) =	sbr.rel @p0 .LBB2_2-.Ltmp1, $4  }
0x50: {  	[tilespmem:s7+$0x5180] =	vst.msk vm1, v4  }
0x51: {  	v4 =	vor.u32 s4, v0;
	s4 =	smov.u32 s6;
	[tilespmem:s8+$0x0] =	vst.msk vm0, v7  }
0x52: {  	s5 =	sadd.s32 $0x40, s5;
	[tilespmem:s8+$0x5180] =	vst.msk vm0, v4  }
0x53: {  	s6 =	sadd.s32 $0x40, s6;
	v4 =	vld [tilespmem:s5+$0xFFFFFFE0]  }
0x54: {  	_ = 	snop  }
0x55: {  	v5 =	vld [tilespmem:s5+$0xFFFFFFF0];
	_ =	sdelay $0x1  }
0x56: {  	v6 =	vld [tilespmem:s5+$0x0]  }
0x57: {  	vm0 =	vgt.f32 v4, $8.999999760e-01  }
0x58: {  	v7 =	vld [tilespmem:s5+$0x10];
	v8 =	vmpcnt.ones.xlane vm0  }
0x59: {  	vm1 =	vgt.f32 v5, $8.999999760e-01  }
0x5a: {  	v60 =	vmpcnt.ones.xlane vm1;
	(v2sf) =	vpush v8, $0x0  }
0x5b: {  	vm2 =	vgt.f32 v6, $8.999999760e-01  }
0x5c: {  	v61 =	vmpcnt.ones.xlane vm2;
	(v2sf) =	vpush v60, $0x0  }
0x5d: {  	vm3 =	vgt.f32 v7, $8.999999760e-01  }
0x5e: {  	v62 =	vmpcnt.ones.xlane vm3;
	(v2sf) =	vpush v61, $0x0;
	_ =	sdelay $0x1  }
0x5f: {  	(v2sf) =	vpush v62, $0x0;
	_ =	sdelay $0x8  }
0x60: {  	v3 =	vor.u32 s4, v3;
	[tilespmem:s3+$0x0] =	vst.msk vm0, v4;
	s22 =	spop (v2sf)  }
0x61: {  	[tilespmem:s3+$0x5180] =	vst.msk vm0, v3;
	s23 =	sadd.s32 s3, s22  }
0x62: {  	v2 =	vor.u32 s4, v2;
	s24 =	spop (v2sf);
	[tilespmem:s23+$0x0] =	vst.msk vm1, v5  }
0x63: {  	s5 =	sadd.s32 s24, s23;
	[tilespmem:s23+$0x5180] =	vst.msk vm1, v2  }
0x64: {  	v1 =	vor.u32 s4, v1;
	s25 =	spop (v2sf);
	[tilespmem:s5+$0x0] =	vst.msk vm2, v6  }
0x65: {  	s6 =	sadd.s32 s25, s5;
	[tilespmem:s5+$0x5180] =	vst.msk vm2, v1  }
0x66: {  	v0 =	vor.u32 s4, v0;
	s26 =	spop (v2sf);
	[tilespmem:s6+$0x0] =	vst.msk vm3, v7  }
0x67: {  	v63 =	vimm.f32 $-Inf;
	s3 =	sadd.s32 s26, s6;
	[tilespmem:s6+$0x5180] =	vst.msk vm3, v0  }
0x68: {  	[tilespmem:s3+$0x0] =	vst v63  }
0x69: {  	[tilespmem:$0x1ED80] =	vst v63  }
0x6a: {  	[tilespmem:$0x1ED90] =	vst v63  }
0x6b: {  	[tilespmem:$0x1EDA0] =	vst v63  }
0x6c: {  	[tilespmem:$0x1EDB0] =	vst v63  }
0x6d: {  	[tilespmem:$0x1EDC0] =	vst v63  }
0x6e: {  	[tilespmem:$0x1EDD0] =	vst v63  }
0x6f: {  	[tilespmem:$0x1EDE0] =	vst v63  }
0x70: {  	[tilespmem:$0x1EDF0] =	vst v63  }
0x71: {  	[tilespmem:$0x1EE00] =	vst v63  }
0x72: {  	[tilespmem:$0x1EE10] =	vst v63  }
0x73: {  	[tilespmem:$0x1EE20] =	vst v63  }
0x74: {  	[tilespmem:$0x1EE30] =	vst v63  }
0x75: {  	[tilespmem:$0x1EE40] =	vst v63  }
0x76: {  	[tilespmem:$0x1EE50] =	vst v63  }
0x77: {  	[tilespmem:$0x1EE60] =	vst v63  }
0x78: {  	[tilespmem:$0x1EE70] =	vst v63  }
0x79: {  	[tilespmem:$0x1EE80] =	vst v63  }
0x7a: {  	[tilespmem:$0x1EE90] =	vst v63  }
0x7b: {  	[tilespmem:$0x1EEA0] =	vst v63  }
0x7c: {  	[tilespmem:$0x1EEB0] =	vst v63  }
0x7d: {  	[tilespmem:$0x1EEC0] =	vst v63  }
0x7e: {  	[tilespmem:$0x1EED0] =	vst v63  }
0x7f: {  	[tilespmem:$0x1EEE0] =	vst v63  }
0x80: {  	[tilespmem:$0x1EEF0] =	vst v63  }
0x81: {  	[tilespmem:$0x1EF00] =	vst v63  }
0x82: {  	[tilespmem:$0x1EF10] =	vst v63  }
0x83: {  	[tilespmem:$0x1EF20] =	vst v63  }
0x84: {  	[tilespmem:$0x1EF30] =	vst v63  }
0x85: {  	[tilespmem:$0x1EF40] =	vst v63  }
0x86: {  	[tilespmem:$0x1EF50] =	vst v63  }
0x87: {  	[tilespmem:$0x1EF60] =	vst v63  }
0x88: {  	[tilespmem:$0x1EF70] =	vst v63  }
0x89: {  	[tilespmem:$0x1EF80] =	vst v63  }
0x8a: {  	[tilespmem:$0x1EF90] =	vst v63  }
0x8b: {  	[tilespmem:$0x1EFA0] =	vst v63  }
0x8c: {  	[tilespmem:$0x1EFB0] =	vst v63  }
0x8d: {  	[tilespmem:$0x1EFC0] =	vst v63  }
0x8e: {  	[tilespmem:$0x1EFD0] =	vst v63  }
0x8f: {  	[tilespmem:$0x1EFE0] =	vst v63  }
0x90: {  	[tilespmem:$0x1EFF0] =	vst v63  }
0x91: {  	[tilespmem:$0x1F000] =	vst v63  }
0x92: {  	[tilespmem:$0x1F010] =	vst v63  }
0x93: {  	[tilespmem:$0x1F020] =	vst v63  }
0x94: {  	[tilespmem:$0x1F030] =	vst v63  }
0x95: {  	[tilespmem:$0x1F040] =	vst v63  }
0x96: {  	[tilespmem:$0x1F050] =	vst v63  }
0x97: {  	[tilespmem:$0x1F060] =	vst v63  }
0x98: {  	[tilespmem:$0x1F070] =	vst v63  }
0x99: {  	[tilespmem:$0x1F080] =	vst v63  }
0x9a: {  	[tilespmem:$0x1F090] =	vst v63  }
0x9b: {  	[tilespmem:$0x1F0A0] =	vst v63  }
0x9c: {  	[tilespmem:$0x1F0B0] =	vst v63  }
0x9d: {  	[tilespmem:$0x1F0C0] =	vst v63  }
0x9e: {  	[tilespmem:$0x1F0D0] =	vst v63  }
0x9f: {  	[tilespmem:$0x1F0E0] =	vst v63  }
0xa0: {  	[tilespmem:$0x1F0F0] =	vst v63  }
0xa1: {  	[tilespmem:$0x1F100] =	vst v63  }
0xa2: {  	[tilespmem:$0x1F110] =	vst v63  }
0xa3: {  	[tilespmem:$0x1F120] =	vst v63  }
0xa4: {  	[tilespmem:$0x1F130] =	vst v63  }
0xa5: {  	[tilespmem:$0x1F140] =	vst v63  }
0xa6: {  	[tilespmem:$0x1F150] =	vst v63  }
0xa7: {  	[tilespmem:$0x1F160] =	vst v63  }
0xa8: {  	[tilespmem:$0x1F170] =	vst v63  }
0xa9: {  	[tilespmem:$0x1F180] =	vst v63  }
0xaa: {  	[tilespmem:$0x1F190] =	vst v63  }
0xab: {  	[tilespmem:$0x1F1A0] =	vst v63  }
0xac: {  	[tilespmem:$0x1F1B0] =	vst v63  }
0xad: {  	[tilespmem:$0x1F1C0] =	vst v63  }
0xae: {  	s28 =	sadd.s32 $0xF, s3;
	[tilespmem:$0x1F1D0] =	vst v63  }
0xaf: {  	s29 =	sand.u32 $0xF, s28;
	[tilespmem:$0x1F1E0] =	vst v63  }
0xb0: {  	s30 =	sshra.s32 s28, $0x1F;
	p0 =	slt.s32 s28, $0x1;
	p1 =	sne.s32 s29, $0x0;
	[tilespmem:$0x1F1F0] =	vst v63  }
0xb1: {  	s31 =	sshrl.u32 s30, $0x1C;
	p0 =	por !p0, !p1;
	[tilespmem:$0x1F200] =	vst v63  }
0xb2: {  	s5 =	simm.s32 $0x1;
	s4 =	sadd.s32 s31, s28;
	[tilespmem:$0x1F210] =	vst v63;
	p0 =	por !p0, !p0  }
0xb3: {  	[tilespmem:$0x1F220] =	vst v63;
	s4 =	sshra.s32 s4, $0x4;
	s5 =	simm.s32 @!p0 $0x0  }
0xb4: {  	[tilespmem:$0x1F230] =	vst v63;
	s5 =	ssub.s32 s4, s5  }
0xb5: {  	[tilespmem:$0x1F240] =	vst v63;
	p0 =	slt.s32 s5, $0x1  }
.Ltmp2:
0xb6: {  	[tilespmem:$0x1F250] =	vst v63;
	(pc) =	sbr.rel @p0 .LBB2_10-.Ltmp2, $4  }
0xb7: {  	[tilespmem:$0x1F260] =	vst v63  }
0xb8: {  	[tilespmem:$0x1F270] =	vst v63  }
0xb9: {  	[tilespmem:$0x1F280] =	vst v63  }
0xba: {  	[tilespmem:$0x1F290] =	vst v63;
	s4 =	simm.s32 $0x1  }
0xbb: {  	p1 =	sne.s32 s5, $0x1  }
.Ltmp3:
0xbc: {  	_ = 	snop;
	(pc) =	sbr.rel @!p1 .LBB2_5-.Ltmp3, $3  }
0xbd: {  	_ =	sdelay $0x1  }
0xbe: {  	s7 =	simm.s32 $0x0  }
0xbf: {  	s6 =	simm.s32 $0x1ED80;
	p0 =	por $0x0, $0x0;
	v0 =	vld [tilespmem:s7+$0x0];
	s7 =	sadd.s32 $0xFFFFFFFF, s5  }
0xc0: {  	_ =	sdelay $0x3  }
0xc1: {  	(xrf0) =	vmax.scan.msk.f32 $0xffff, v0;
	_ =	sdelay $0x5  }
0xc2: {  	v0, _, _ =	vpop (xrf0)  }
0xc3: {  	p1 =	sne.s32 s7, $0x1;
	v0 =	vadd.f32 $0.0e+00, v0  }
.Ltmp4:
0xc4: {  	_ = 	snop;
	(pc) =	sbr.rel @!p1 .LBB2_7-.Ltmp4, $3  }
0xc5: {  	v0 =	vbroadcast v0, $0xF;
	_ =	sdelay $0x1  }
0xc6: {  	s8 =	simm.s32 $0x10;
	[tilespmem:s6+$0x0] =	vst.msk $0x1, v0  }
0xc7: {  	s9 =	sadd.s32 $0xFFFFFFFF, s7;
	p0 =	por $0x1, $0x1;
	s7 =	simm.s32 $0x1ED80;
	v0 =	vld [tilespmem:s8+$0x0]  }
.LBB2_8:
0xc8: {  	p1 =	sne.s32 s9, $0x1;
	_ =	sdelay $0x3  }
0xc9: {  	(xrf0) =	vmax.scan.msk.f32 $0xffff, v0;
	_ =	sdelay $0x5  }
0xca: {  	v0, _, _ =	vpop (xrf0)  }
0xcb: {  	v0 =	vadd.f32 $0.0e+00, v0  }
.Ltmp5:
0xcc: {  	(pc) =	sbr.rel @p1 .LBB2_8-.Ltmp5, $4  }
0xcd: {  	v0 =	vbroadcast v0, $0xF  }
0xce: {  	s7 =	sadd.s32 $0x1, s7  }
0xcf: {  	s8 =	sadd.s32 $0x10, s8;
	[tilespmem:s7+$0x0] =	vst.msk $0x1, v0  }
0xd0: {  	s9 =	sadd.s32 $0xFFFFFFFF, s9;
	v0 =	vld [tilespmem:s8+$0x0]  }
.LBB2_9:
0xd1: {  	_ =	sdelay $0x3  }
0xd2: {  	(xrf0) =	vmax.scan.msk.f32 $0xffff, v0;
	_ =	sdelay $0x5  }
0xd3: {  	v0, _, _ =	vpop (xrf0)  }
0xd4: {  	v0 =	vadd.f32 $0.0e+00, v0;
	_ =	sdelay $0x1  }
0xd5: {  	s7 =	sadd.s32 @p0 $0x1, s7;
	v0 =	vbroadcast v0, $0xF  }
0xd6: {  	s6 =	smov.u32 @p0 s7  }
0xd7: {  	[tilespmem:s6+$0x0] =	vst.msk $0x1, v0  }
.LBB2_10:
0xd8: {  	p0 =	slt.s32 s3, $0x1  }
.Ltmp6:
0xd9: {  	_ = 	snop;
	(pc) =	sbr.rel @p0 .LBB2_33-.Ltmp6, $1  }
0xda: {  	_ =	sdelay $0x3  }
0xdb: {  	s3 =	sadd.s32 $0xF, s5  }
0xdc: {  	p0 =	slt.s32 s5, $0xFFFFFFF2;
	s6 =	sand.u32 $0xF, s3  }
0xdd: {  	s5 =	simm.s32 $0x0;
	s7 =	sshra.s32 s3, $0x1F;
	p1 =	sne.s32 s6, $0x0  }
.Ltmp7:
0xde: {  	s31 =	sshrl.u32 s7, $0x1C;
	p0 =	por !p0, !p1;
	(pc) =	sbr.rel .LBB2_12-.Ltmp7, $4  }
0xdf: {  	s8 =	simm.s32 $0xF480;
	s3 =	sadd.s32 s31, s3;
	p0 =	por !p0, !p0  }
0xe0: {  	s9 =	simm.s32 $0x14600;
	s3 =	sshra.s32 s3, $0x4;
	s4 =	simm.s32 @!p0 $0x0  }
0xe1: {  	v0 =	vlaneseq.u32;
	v1 =	vimm.f32 $-Inf;
	s10 =	simm.s32 $0x19780;
	s6 =	simm.s32 $0x5180;
	s3 =	ssub.s32 s3, s4  }
0xe2: {  	vm0 =	vmxor vm0, vm0;
	v3 =	vimm.f32 $0.0e+00;
	v2 =	vmul.u32 $0xFFFFFFFF, v0;
	s7 =	simm.s32 $0xA300;
	s4 =	simm.s32 $0x0;
	p0 =	slt.s32 s3, $0x1  }
.LBB2_18:
0xe3: {  	v14 =	vimm.f32 $0.0e+00  }
.LBB2_32:
0xe4: {  	(xrf0) =	vmax.scan.msk.f32 $0xffff, v14;
	_ =	sdelay $0x5  }
0xe5: {  	v14, _, _ =	vpop (xrf0)  }
0xe6: {  	(v2sf) =	vpush v14, $0xF;
	_ =	sdelay $0xd  }
0xe7: {  	p3 =	sgt.f32 s13, $-Inf;
	p2 =	slt.f32 s13, $-Inf  }
0xe8: {  	s31 =	spop (v2sf)  }
0xe9: {  	p2 =	por p3, p2;
	p6 =	sgt.f32 s31, $0.0e+00  }
0xea: {  	p2 =	por !p2, !p2  }
0xeb: {  	v6 =	vpsel p1, $0xFF800000, v6;
	v15 =	vlaneseq.u32 @!p2;
	v14 =	vmov @!p2 s14;
	p1 =	por !p6, !p6  }
0xec: {  	vm1 =	veq.s32 @!p2 v14, v15;
	p1 =	por !p3, !p1  }
0xed: {  	v6 =	vsel @!p2 vm1, $0xFF800000, v6;
	p1 =	por !p1, !p1  }
0xee: {  	(xrf0) =	vmax.scan.msk.f32 @!p2 $0xffff, v6;
	[tilespmem:s4+$0x1E900] =	vst.msk @p1 $0x1, v11  }
0xef: {  	[tilespmem:s4+$0x1E980] =	vst.msk @p1 $0x1, v12;
	vm1 =	vcmask @p1 $0xF0C  }
0xf0: {  	s13 =	simm.s32 @!p2 $0x1;
	[tilespmem:s4+$0x1EA00] =	vst.msk @p1 $0x1, v13;
	p3 =	por !p1, p2;
	v6 =	vsel @p1 vm1, v8, v7;
	vm1 =	vcmask @p1 $0xF08  }
0xf1: {  	[tilespmem:s4+$0x1EA80] =	vst.msk @p1 $0x1, v10;
	vm2 =	vmmov @p1 $0x1;
	s14 =	sshll.u32 @p1 s4, $0x4;
	s13 =	simm.s32 @p3 $0x0;
	v5 =	vsel @p1 vm1, v6, v5  }
0xf2: {  	[tilespmem:s4+$0x1EB00] =	vst.msk @p1 $0x1, v9;
	s14 =	sshra.s32 @p1 s14, $0x2;
	s4 =	sadd.s32 @!p2 s13, s4;
	v4 =	vsel @p1 vm2, v4, v5  }
0xf3: {  	[tilespmem:s14+$0x1EB80] =	vst.msk @p1 $0xf, v4;
	p1 =	slt.u32 @!p2 s4, $0x64  }
0xf4: {  	v7, _, _ =	vpop @!p2 (xrf0);
	p1 =	por p2, !p1  }
.Ltmp8:
0xf5: {  	v6 =	vadd.f32 @!p2 $0.0e+00, v7;
	(pc) =	sbr.rel @p1 .LBB2_33-.Ltmp8, $4  }
0xf6: {  	_ = 	snop  }
0xf7: {  	v4 =	vimm.f32 @!p2 $-Inf;
	v5 =	vbroadcast @!p2 v6, $0xF  }
0xf8: {  	[tilespmem:s12+$0x0] =	vst.msk @!p2 $0x1, v4  }
0xf9: {  	[tilespmem:s11+$0x1ED80] =	vst.msk @!p2 $0x1, v5  }
.LBB2_12:
.Ltmp9:
0xfa: {  	(pc) =	sbr.rel @p0 .LBB2_13-.Ltmp9, $1  }
0xfb: {  	_ =	sdelay $0x3  }
0xfc: {  	s11 =	simm.s32 $0x1ED80  }
0xfd: {  	p1 =	sne.s32 s3, $0x1;
	v4 =	vld [tilespmem:s11+$0x0]  }
.Ltmp10:
0xfe: {  	_ = 	snop;
	(pc) =	sbr.rel @!p1 .LBB2_16-.Ltmp10, $3  }
0xff: {  	_ =	sdelay $0x1  }
0x100: {  	v5 =	vimm.s32 $0x0  }
0x101: {  	v7 =	vor.u32 s5, v0;
	s12 =	simm.s32 $0x1ED90;
	v6 =	vimm.f32 $-Inf;
	s13 =	simm.s32 $0x0;
	s11 =	sadd.s32 $0xFFFFFFFF, s3;
	vm1 =	vgt.f32 v4, v1  }
.LBB2_15:
0x102: {  	p1 =	sne.s32 s11, $0x1;
	s11 =	sadd.s32 $0xFFFFFFFF, s11;
	v6 =	vsel vm1, v4, v6;
	v4 =	vld [tilespmem:s12+$0x0];
	v5 =	vsel vm1, v7, v5  }
.Ltmp11:
0x103: {  	(pc) =	sbr.rel @p1 .LBB2_15-.Ltmp11, $3  }
0x104: {  	_ =	sdelay $0x1  }
0x105: {  	s13 =	sadd.s32 $0x10, s13  }
0x106: {  	s12 =	sadd.s32 $0x10, s12;
	v7 =	vor.u32 s13, v0;
	vm1 =	vgt.f32 v4, v6  }
.LBB2_16:
.Ltmp12:
0x107: {  	(pc) =	sbr.rel .LBB2_17-.Ltmp12, $3  }
0x108: {  	_ =	sdelay $0x1  }
0x109: {  	v7 =	vsel vm1, v7, v5  }
0x10a: {  	v5 =	vsel vm1, v4, v6;
	v4 =	vxor.u32 $0x80000000, v7  }
.LBB2_13:
0x10b: {  	v4 =	vimm.s32 $0x80000000;
	v5 =	vimm.f32 $-Inf  }
.LBB2_17:
0x10c: {  	(xrf0) =	vmax.scan.msk.f32 $0xffff, v5;
	_ =	sdelay $0x5  }
0x10d: {  	v6, _, _ =	vpop (xrf0)  }
0x10e: {  	v7 =	vbroadcast v6, $0xF;
	_ =	sdelay $0x1  }
0x10f: {  	vm1 =	veq.f32 v5, v7  }
0x110: {  	v4 =	vnsel vm1, $0x80000510, v4  }
0x111: {  	(xrf0) =	vmin.scan.msk.u32 $0xffff, v4;
	_ =	sdelay $0x5  }
0x112: {  	(v2sf) =	vpush v6, $0xF;
	v4, _, _ =	vpop (xrf0)  }
0x113: {  	(v2sf) =	vpush v4, $0xF;
	_ =	sdelay $0xd  }
0x114: {  	s13 =	spop (v2sf)  }
0x115: {  	s12 =	spop (v2sf)  }
0x116: {  	s11 =	sxor.u32 $0x80000000, s12;
	s14 =	sadd.s32 $0x80000001, s12  }
0x117: {  	p1 =	sge.s32 s11, s14  }
0x118: {  	s14 =	sshll.u32 @!p1 s12, $0x6  }
0x119: {  	s14 =	sshra.s32 @!p1 s14, $0x2  }
0x11a: {  	v6 =	vld @!p1 [tilespmem:s14+$0x0];
	_ =	sdelay $0x4  }
0x11b: {  	vm1 =	veq.f32 @!p1 v6, v7  }
0x11c: {  	v4 =	vmctz.xlane @!p1 vm1;
	_ =	sdelay $0x1  }
0x11d: {  	(v2sf) =	vpush @!p1 v4, $0x0;
	_ =	sdelay $0xe  }
0x11e: {  	s14 =	spop @!p1 (v2sf)  }
0x11f: {  	s12 =	sshll.u32 s12, $0x4;
	s14 =	simm.s32 @p1 $0x0  }
0x120: {  	s12 =	sadd.s32 s12, s14  }
0x121: {  	v4 =	vmov s12;
	_ =	sdelay $0x4  }
0x122: {  	v8 =	vld.idx.msk [tilespmem:v4+s6+$0x0], $0xffff;
	_ =	sdelay $0x7  }
0x123: {  	v4 =	vld.idx.msk [tilespmem:v8+s7+$0x0], $0xffff  }
0x124: {  	v5 =	vld.idx.msk [tilespmem:v8+s8+$0x0], $0xffff  }
0x125: {  	v7 =	vld.idx.msk [tilespmem:v8+s9+$0x0], $0xffff  }
0x126: {  	v8 =	vld.idx.msk [tilespmem:v8+s10+$0x0], $0xffff  }
0x127: {  	s15 =	sadd.s32 $0xF, s4  }
0x128: {  	s17 =	sshrl.u32 s15, $0x4  }
0x129: {  	p2 =	seq.s32 s17, $0x0  }
.Ltmp13:
0x12a: {  	v11 =	vmin.f32 v7, v4;
	(pc) =	sbr.rel @p2 .LBB2_18-.Ltmp13, $3  }
0x12b: {  	v12 =	vmax.f32 v7, v4;
	v13 =	vmin.f32 v5, v8;
	v10 =	vmax.f32 v5, v8  }
0x12c: {  	v9 =	vsub.f32 v12, v11;
	v14 =	vsub.f32 v10, v13;
	_ =	sdelay $0x1  }
0x12d: {  	v9 =	vmul.f32 v14, v9  }
0x12e: {  	p6 =	sne.s32 s17, $0x1  }
.Ltmp14:
0x12f: {  	s15 =	simm.s32 $0x1E900;
	(pc) =	sbr.rel @!p6 .LBB2_20-.Ltmp14, $4  }
0x130: {  	s18 =	simm.s32 $0x1E980;
	v15 =	vld [tilespmem:s15+$0x0]  }
0x131: {  	s19 =	simm.s32 $0x1EA00;
	s20 =	simm.s32 $0x1EA80;
	s16 =	simm.s32 $0x1EB00;
	v16 =	vld [tilespmem:s18+$0x0]  }
0x132: {  	s17 =	sadd.s32 $0xFFFFFFFF, s17;
	p2 =	por $0x0, $0x0;
	p3 =	por $0x0, $0x0;
	v17 =	vld [tilespmem:s19+$0x0]  }
0x133: {  	v14 =	vadd.s32 s4, v2;
	p4 =	por $0x0, $0x0;
	p5 =	por $0x0, $0x0;
	s15 =	simm.s32 $0x0;
	v19 =	vld [tilespmem:s20+$0x0]  }
0x134: {  	p6 =	sne.s32 s17, $0x1  }
.Ltmp15:
0x135: {  	v20 =	vld [tilespmem:s16+$0x0];
	s18 =	simm.s32 $0x1E910;
	(pc) =	sbr.rel @!p6 .LBB2_22-.Ltmp15, $4  }
0x136: {  	s29 =	simm.s32 $0x1E990;
	v18 =	vmax.f32 v15, v11;
	v15 =	vld [tilespmem:s18+$0x0];
	v21 =	vmin.f32 v16, v12  }
0x137: {  	s30 =	simm.s32 $0x1EA10;
	v16 =	vld [tilespmem:s29+$0x0];
	v18 =	vsub.f32 v21, v18  }
0x138: {  	s31 =	simm.s32 $0x1EA90;
	v22 =	vmax.f32 v17, v13;
	v17 =	vld [tilespmem:s30+$0x0];
	v19 =	vmin.f32 v19, v10  }
0x139: {  	p2 =	por $0x1, $0x1;
	s18 =	sadd.s32 $0xFFFFFFFF, s17;
	v25 =	vsub.f32 v19, v22;
	v19 =	vld [tilespmem:s31+$0x0];
	v27 =	vmax.f32 v18, $0.0e+00  }
0x13a: {  	_ = 	snop  }
0x13b: {  	s17 =	simm.s32 $0x1EB10;
	p6 =	sne.s32 s18, $0x1;
	v18 =	vmax.f32 v25, $0.0e+00  }
.Ltmp16:
0x13c: {  	v21 =	vadd.f32 v20, v9;
	s19 =	simm.s32 $0x1E920;
	v20 =	vld [tilespmem:s17+$0x0];
	v18 =	vmul.f32 v18, v27;
	(pc) =	sbr.rel @!p6 .LBB2_24-.Ltmp16, $4  }
0x13d: {  	s29 =	simm.s32 $0x1E9A0;
	v22 =	vmax.f32 v15, v11;
	v15 =	vld [tilespmem:s19+$0x0];
	v23 =	vmin.f32 v16, v12  }
0x13e: {  	s30 =	simm.s32 $0x1EA20;
	v16 =	vld [tilespmem:s29+$0x0];
	v22 =	vsub.f32 v23, v22;
	v21 =	vsub.f32 v21, v18  }
0x13f: {  	s31 =	simm.s32 $0x1EAA0;
	v24 =	vmax.f32 v17, v13;
	v17 =	vld [tilespmem:s30+$0x0];
	v19 =	vmin.f32 v19, v10  }
0x140: {  	s18 =	sadd.s32 $0xFFFFFFFF, s18;
	p3 =	por $0x1, $0x1;
	v25 =	vsub.f32 v19, v24;
	v19 =	vld [tilespmem:s31+$0x0];
	v27 =	vmax.f32 v22, $0.0e+00;
	v24 =	vadd.f32 $9.999999930e-09, v21  }
0x141: {  	_ = 	snop  }
0x142: {  	s17 =	simm.s32 $0x1EB20;
	p6 =	sne.s32 s18, $0x1;
	v21 =	vmax.f32 v25, $0.0e+00  }
.Ltmp17:
0x143: {  	v22 =	vadd.f32 v20, v9;
	s19 =	simm.s32 $0x1E930;
	v20 =	vld [tilespmem:s17+$0x0];
	v21 =	vmul.f32 v21, v27;
	(pc) =	sbr.rel @!p6 .LBB2_26-.Ltmp17, $4  }
0x144: {  	s29 =	simm.s32 $0x1E9B0;
	v23 =	vmax.f32 v15, v11;
	v15 =	vld [tilespmem:s19+$0x0];
	v16 =	vmin.f32 v16, v12  }
0x145: {  	s30 =	simm.s32 $0x1EA30;
	v23 =	vsub.f32 v16, v23;
	v16 =	vld [tilespmem:s29+$0x0];
	v22 =	vsub.f32 v22, v21  }
0x146: {  	s31 =	simm.s32 $0x1EAB0;
	(erf) = vrcp.f32 v24;
	v25 =	vmax.f32 v17, v13;
	v17 =	vld [tilespmem:s30+$0x0];
	v19 =	vmin.f32 v19, v10  }
0x147: {  	s18 =	sadd.s32 $0xFFFFFFFF, s18;
	p4 =	por $0x1, $0x1;
	v25 =	vsub.f32 v19, v25;
	v19 =	vld [tilespmem:s31+$0x0];
	v27 =	vmax.f32 v23, $0.0e+00;
	v22 =	vadd.f32 $9.999999930e-09, v22  }
0x148: {  	_ =	sdelay $0x4  }
0x149: {  	v24 =	vadd.f32 v20, v9;
	v23 =	vmax.f32 v25, $0.0e+00;
	(erf) = vrcp.f32 v22  }
0x14a: {  	s17 =	simm.s32 $0x1EB30;
	p6 =	sne.s32 s18, $0x1;
	v26 =	vmax.f32 v15, v11;
	v23 =	vmul.f32 v23, v27;
	v16 =	vmin.f32 v16, v12  }
.Ltmp18:
0x14b: {  	s19 =	simm.s32 $0x1E940;
	v20 =	vld [tilespmem:s17+$0x0];
	v26 =	vsub.f32 v16, v26;
	v27 =	vpop (erf);
	(pc) =	sbr.rel @!p6 .LBB2_28-.Ltmp18, $4  }
0x14c: {  	s20 =	simm.s32 $0x1E9C0;
	v25 =	vmov s15;
	v15 =	vld [tilespmem:s19+$0x0];
	v24 =	vsub.f32 v24, v23;
	v27 =	vmul.f32 v27, v18  }
0x14d: {  	s21 =	simm.s32 $0x1EA40;
	vm1 =	vlt.s32 v25, v14;
	v16 =	vld [tilespmem:s20+$0x0];
	v28 =	vmax.f32 v17, v13;
	v19 =	vmin.f32 v19, v10  }
0x14e: {  	s22 =	simm.s32 $0x1EAC0;
	v17 =	vld [tilespmem:s21+$0x0];
	v25 =	vsub.f32 v19, v28;
	v24 =	vadd.f32 $9.999999930e-09, v24;
	vm2 =	vgt.f32 v27, $8.999999760e-01  }
0x14f: {  	s23 =	sadd.s32 $0xFFFFFFFF, s18;
	p5 =	por $0x1, $0x1;
	s18 =	simm.s32 $0x0;
	v19 =	vld [tilespmem:s22+$0x0];
	v27 =	vmax.f32 v26, $0.0e+00;
	v26 =	vmovc v21;
	vm2 =	vmand vm1, vm2;
	vm1 =	vmmov vm0  }
.LBB2_29:
0x150: {  	p6 =	sne.s32 s23, $0x1;
	v25 =	vmax.f32 v25, $0.0e+00;
	(erf) = vrcp.f32 v24;
	vm1 =	vmor vm1, vm2;
	s18 =	sadd.s32 $0x10, s18  }
0x151: {  	s17 =	sadd.s32 $0x10, s17;
	v24 =	vmul.f32 v25, v27;
	v25 =	vadd.f32 v20, v9;
	v29 =	vmov s18  }
.Ltmp19:
0x152: {  	s19 =	sadd.s32 $0x10, s19;
	v28 =	vmax.f32 v15, v11;
	v20 =	vld [tilespmem:s17+$0x0];
	vm2 =	vlt.s32 v29, v14;
	v27 =	vpop (erf);
	(pc) =	sbr.rel @p6 .LBB2_29-.Ltmp19, $4  }
0x153: {  	s20 =	sadd.s32 $0x10, s20;
	v29 =	vmin.f32 v16, v12;
	v15 =	vld [tilespmem:s19+$0x0];
	v30 =	vsub.f32 v25, v24;
	v27 =	vmul.f32 v27, v26;
	v26 =	vmovc v23  }
0x154: {  	s21 =	sadd.s32 $0x10, s21;
	v25 =	vmax.f32 v17, v13;
	v28 =	vsub.f32 v29, v28;
	v23 =	vmovc v24;
	v16 =	vld [tilespmem:s20+$0x0];
	v19 =	vmin.f32 v19, v10  }
0x155: {  	s22 =	sadd.s32 $0x10, s22;
	v17 =	vld [tilespmem:s21+$0x0];
	v25 =	vsub.f32 v19, v25;
	v24 =	vadd.f32 $9.999999930e-09, v30;
	vm3 =	vgt.f32 v27, $8.999999760e-01  }
0x156: {  	s23 =	sadd.s32 $0xFFFFFFFF, s23;
	v27 =	vmax.f32 v28, $0.0e+00;
	v19 =	vld [tilespmem:s22+$0x0];
	vm2 =	vmand vm2, vm3  }
0x157: {  	_ = 	snop  }
.LBB2_31:
0x158: {  	s17 =	sadd.s32 @p2 $0x10, s17  }
0x159: {  	v25 =	vmax.f32 @p2 v25, $0.0e+00;
	s16 =	smov.u32 @p2 s17  }
0x15a: {  	v20 =	vadd.f32 @p2 v20, v9;
	v15 =	vmax.f32 v15, v11;
	v25 =	vmul.f32 @p2 v25, v27;
	v59 =	vld [tilespmem:s16+$0x0]  }
0x15b: {  	v16 =	vmin.f32 v16, v12;
	v17 =	vmax.f32 v17, v13;
	v19 =	vmin.f32 v19, v10  }
0x15c: {  	v15 =	vsub.f32 v16, v15;
	v60 =	vsub.f32 v19, v17  }
0x15d: {  	v17 =	vsub.f32 @p2 v20, v25  }
0x15e: {  	v15 =	vmax.f32 v15, $0.0e+00;
	v16 =	vmax.f32 v60, $0.0e+00  }
0x15f: {  	v17 =	vadd.f32 @p2 $9.999999930e-09, v17;
	v15 =	vmul.f32 v16, v15;
	v61 =	vadd.f32 v59, v9;
	_ =	sdelay $0x1  }
0x160: {  	(erf) = vrcp.f32 @p3 v24;
	v17 =	vpsel p2, v17, v22;
	v16 =	vsub.f32 v61, v15;
	_ =	sdelay $0x1  }
0x161: {  	s17 =	simm.s32 $0x0;
	s16 =	sadd.s32 @p5 $0x10, s18;
	v16 =	vadd.f32 $9.999999930e-09, v16  }
0x162: {  	s17 =	smov.u32 @p5 s16;
	(erf) = vrcp.f32 @p2 v17;
	v17 =	vpop @p4 (erf)  }
0x163: {  	(erf) = vrcp.f32 v16;
	v16 =	vmul.f32 @p4 v17, v26;
	v17 =	vmov @p4 s17;
	_ =	sdelay $0x2  }
0x164: {  	vm1 =	vmor @p5 vm1, vm2;
	vm2 =	vlt.s32 @p4 v17, v14;
	v17 =	vmov @p3 v23  }
0x165: {  	v19 =	vmov @p2 v25;
	vm3 =	vgt.f32 @p4 v16, $8.999999760e-01;
	v17 =	vpsel p3, v17, v18  }
0x166: {  	s16 =	sadd.s32 @p4 $0x10, s17;
	s17 =	simm.s32 $0x0;
	vm2 =	vmand @p4 vm2, vm3;
	vm3 =	vmmov vm0;
	v16 =	vpop @p3 (erf);
	v18 =	vpsel p2, v19, v21  }
0x167: {  	s17 =	smov.u32 @p4 s16;
	vm3 =	vmmov @p5 vm1;
	vm1 =	vmmov @p4 vm2;
	v16 =	vmul.f32 @p3 v16, v17  }
0x168: {  	vm4 =	vmmov vm0;
	s16 =	sadd.s32 @p3 $0x10, s17;
	vm1 =	vmor @p4 vm3, vm1;
	v17 =	vmovc @p2 v18;
	v18 =	vmov @p3 s17;
	s17 =	simm.s32 $0x0  }
0x169: {  	v19 =	vpop @p2 (erf);
	vm3 =	vgt.f32 @p3 v16, $8.999999760e-01;
	v17 =	vpsel p2, v17, v0;
	vm2 =	vlt.s32 @p3 v18, v14;
	s17 =	smov.u32 @p3 s16  }
0x16a: {  	v16 =	vmul.f32 @p2 v19, v17;
	vm2 =	vmand @p3 vm2, vm3;
	v17 =	vmov @p2 s17  }
0x16b: {  	vm4 =	vmmov @p4 vm1;
	s16 =	sadd.s32 @p2 $0x10, s17;
	v62 =	vpop (erf);
	vm1 =	vmmov @p3 vm2;
	vm2 =	vlt.s32 @p2 v17, v14  }
0x16c: {  	s15 =	smov.u32 @p2 s16;
	v15 =	vmul.f32 v62, v15;
	vm3 =	vgt.f32 @p2 v16, $8.999999760e-01;
	vm1 =	vmor @p3 vm4, vm1  }
0x16d: {  	v63 =	vmov s15;
	vm2 =	vmand @p2 vm2, vm3;
	vm3 =	vmmov vm0  }
.Ltmp20:
0x16e: {  	vm4 =	vmmov vm0;
	vm3 =	vmmov @p3 vm1;
	vm1 =	vmmov @p2 vm2;
	(pc) =	sbr.rel .LBB2_32-.Ltmp20, $4  }
0x16f: {  	vm2 =	vlt.s32 v63, v14;
	vm1 =	vmor @p2 vm3, vm1;
	vm3 =	vgt.f32 v15, $8.999999760e-01  }
0x170: {  	vm2 =	vmand vm2, vm3;
	vm4 =	vmmov @p2 vm1  }
0x171: {  	vm1 =	vmor vm4, vm2  }
0x172: {  	v14 =	vsel vm1, $0x3F800000, v3  }
.LBB2_20:
.Ltmp21:
0x173: {  	(pc) =	sbr.rel .LBB2_31-.Ltmp21, $2  }
0x174: {  	_ =	sdelay $0x2  }
0x175: {  	vm1 =	vmmov vm0;
	s18 =	simm.s32 $0x0;
	s17 =	simm.s32 $0x1EB00  }
.LBB2_22:
.Ltmp22:
0x176: {  	(pc) =	sbr.rel .LBB2_31-.Ltmp22, $2  }
0x177: {  	_ =	sdelay $0x2  }
0x178: {  	vm1 =	vmmov vm0;
	s18 =	simm.s32 $0x0;
	s17 =	simm.s32 $0x1EB00  }
.LBB2_24:
.Ltmp23:
0x179: {  	(pc) =	sbr.rel .LBB2_31-.Ltmp23, $2  }
0x17a: {  	_ =	sdelay $0x2  }
0x17b: {  	v23 =	vmov v18;
	vm1 =	vmmov vm0;
	s18 =	simm.s32 $0x0  }
.LBB2_26:
.Ltmp24:
0x17c: {  	(pc) =	sbr.rel .LBB2_31-.Ltmp24, $2  }
0x17d: {  	_ =	sdelay $0x2  }
0x17e: {  	vm1 =	vmmov vm0;
	s18 =	simm.s32 $0x0;
	v26 =	vmovc v18;
	v23 =	vmov v21;
	v24 =	vmov v22  }
.LBB2_28:
.Ltmp25:
0x17f: {  	(pc) =	sbr.rel .LBB2_31-.Ltmp25, $2  }
0x180: {  	_ =	sdelay $0x2  }
0x181: {  	vm1 =	vmmov vm0;
	s18 =	simm.s32 $0x0;
	v26 =	vmov v21  }
.LBB2_33:
0x182: {  	s3 =	simm.s32 $0x80  }
0x183: {  	s4 =	simm.s32 $0x200;
	s5 =	simm.s32 $0x1EB80;
	s31 =	simm.s32 $0x1  }
0x184: {  	[hbm4b:s2+s3] =	stream.strided.scatter [tilespmem:s5], [sflag:$0x1], $0x200, s4, s3, $0x38;
	[tilespmem:$0x1F300] =	vst v63  }
0x185: {  	_ =	swait.ge [sflag:s31], $0x200  }
0x186: {  	[sflag:s31] =	ssyncset.done $0x0  }
0x187: {  	[sflag:s31] =	ssyncadd.s32 $0xFFFFFE00  }
.LBB2_34:
0x188: {  	_ =	sfence.sel $0x180000  }
0x189: {  	[bflag:$0x0] =	sbarrier.arrive $0xFFFF  }
0x18a: {  	p0 =	sne.s32 s0, $0x0;
	_ =	strace $0x90000047  }
0x18b: {  	s0 =	sadd.s32 @!p0 $0x100000, s1;
	[bflag:$0x2] =	sbarrier.arrive $0xFFFF  }
0x18c: {  	[sflag:s0] =	ssyncadd.tile.s32 @!p0 $0x1;
	_ =	shalt  }
.LBB2_5:
.Ltmp26:
0x18d: {  	(pc) =	sbr.rel .LBB2_9-.Ltmp26, $2  }
0x18e: {  	_ =	sdelay $0x2  }
0x18f: {  	s7 =	simm.s32 $0x1ED80  }
.LBB2_7:
.Ltmp27:
0x190: {  	(pc) =	sbr.rel .LBB2_9-.Ltmp27, $2  }
0x191: {  	_ =	sdelay $0x2  }
0x192: {  	s7 =	simm.s32 $0x1ED80  }
.Lfunc_end2:
_tile_overlayer_lowered:
.L_overlay_start_2:
0x193: {  	(tag) =	ssettag $0x2  }
0x194: {  	s0 =	rddreg [dreg:$0x0];
	s2 =	stileid.u32  }
0x195: {  	s1 =	rddreg [dreg:$0x1];
	p0 =	sne.s32 s2, $0x0  }
0x196: {  	s3 =	rddreg [dreg:$0x2];
	[bflag:$0x3] =	sbarrier.arrive $0xFFFF;
	s2 =	simm.s32 @!p0 $0x1C01  }
0x197: {  	[timem:s3], [sflag:s2] =	dma.local @!p0 [hbm:s0], s1  }
0x198: {  	s0 =	simm.s32 @!p0 $0x1  }
0x199: {  	_ =	swait.ge @!p0 [sflag:s0], s1  }
0x19a: {  	s1 =	ssub.s32 @!p0 $0x0, s1;
	[sflag:s0] =	ssyncset.done @!p0 $0x0  }
0x19b: {  	[sflag:s0] =	ssyncadd.s32 @!p0 s1  }
0x19c: {  	[bflag:$0x3] =	sbarrier.arrive $0xFFFF  }
0x19d: {  	_ =	shalt  }

</sc_bundles>
